<compile_context>
chip_gen: v7x
topology: tpu7x:2x2x1
jax: 0.10.2.dev20260603
libtpu: 0.0.44.dev20260713+nightly
codegen_flags: <defaults>
</compile_context>

<pallas_src>
import functools

import jax
import jax.numpy as jnp
from jax import lax
from jax.experimental import pallas as pl
from jax.experimental.pallas import tpu as pltpu
from jax.experimental.pallas import tpu_sc as plsc

NC = 2
NS = 16
NW = NC * NS
LANES = 16
CHUNK = 128
STAGE_WORDS = 8000


@functools.cache
def _build(n_fields: int, batch: int, vocab: int):
    b_per_w = batch // NW
    assert vocab % STAGE_WORDS == 0
    n_stage = vocab // STAGE_WORDS
    stage_per_tile = -(-n_stage // NS)
    mesh = plsc.VectorSubcoreMesh(
        core_axis_name="c", subcore_axis_name="s",
        num_cores=NC, num_subcores=NS,
    )

    @functools.partial(
        pl.kernel,
        out_type=(
            jax.ShapeDtypeStruct((batch,), jnp.float32),
            jax.ShapeDtypeStruct((batch,), jnp.float32),
        ),
        mesh=mesh,
        scratch_types=[
            pltpu.VMEM_SHARED((vocab,), jnp.float32),
            pltpu.VMEM((STAGE_WORDS,), jnp.float32),
            pltpu.VMEM((STAGE_WORDS,), jnp.float32),
            pltpu.VMEM((n_fields, b_per_w), jnp.int32),
            pltpu.VMEM((n_fields, b_per_w), jnp.float32),
            pltpu.VMEM((b_per_w,), jnp.float32),
            pltpu.VMEM((b_per_w,), jnp.float32),
            pltpu.VMEM((LANES,), jnp.float32),
            pltpu.SemaphoreType.DMA,
            pltpu.SemaphoreType.DMA,
            pltpu.SemaphoreType.DMA,
        ],
    )
    def k(x_hbm, w_hbm, bias_hbm, lr_hbm, prob_hbm,
          shared_w, stage_a, stage_b, idx_v, val_v, acc_v, prob_v,
          bias_v, sem_g, sem_i, sem_s):
        sid = lax.axis_index("s")
        wid = sid * NC + lax.axis_index("c")
        base = wid * b_per_w

        idx_copy = pltpu.async_copy(
            x_hbm.at[:, pl.ds(base, b_per_w)], idx_v, sem_i)
        pltpu.sync_copy(bias_hbm, bias_v)

        bufs = [stage_a, stage_b]

        def hop1(i):
            c = sid * stage_per_tile + i
            return pltpu.async_copy(
                w_hbm.at[pl.ds(c * STAGE_WORDS, STAGE_WORDS)],
                bufs[i % 2], sem_s)

        @pl.when(sid * stage_per_tile < n_stage)
        def _():
            hop1(0)

        for i in range(stage_per_tile):
            c = sid * stage_per_tile + i

            @pl.when(c < n_stage)
            def _(i=i, c=c):
                pltpu.make_async_copy(
                    w_hbm.at[pl.ds(c * STAGE_WORDS, STAGE_WORDS)],
                    bufs[i % 2], sem_s).wait()
                if i + 1 < stage_per_tile:
                    @pl.when(c + 1 < n_stage)
                    def _():
                        hop1(i + 1)
                pltpu.sync_copy(
                    bufs[i % 2],
                    shared_w.at[pl.ds(c * STAGE_WORDS, STAGE_WORDS)])
        plsc.subcore_barrier()

        idx_copy.wait()

        def fire(f, carry):
            for j in range(b_per_w // CHUNK):
                pltpu.async_copy(
                    shared_w.at[idx_v.at[f, pl.ds(j * CHUNK, CHUNK)]],
                    val_v.at[f, pl.ds(j * CHUNK, CHUNK)],
                    sem_g,
                )
            return carry
        lax.fori_loop(0, n_fields, fire, 0)

        bias16 = bias_v[...]
        UNROLL = 4

        def wait_field(f):
            for j in range(b_per_w // CHUNK):
                pltpu.make_async_copy(
                    shared_w.at[idx_v.at[f, pl.ds(j * CHUNK, CHUNK)]],
                    val_v.at[f, pl.ds(j * CHUNK, CHUNK)],
                    sem_g,
                ).wait()

        wait_field(0)

        def init(i, carry):
            for u in range(UNROLL):
                sl = pl.ds((i * UNROLL + u) * LANES, LANES)
                acc_v[sl] = bias16 + val_v[0, sl]
            return carry
        lax.fori_loop(0, b_per_w // (LANES * UNROLL), init, 0)

        def drain(f, carry):
            wait_field(f)

            def add(i, c2):
                for u in range(UNROLL):
                    sl = pl.ds((i * UNROLL + u) * LANES, LANES)
                    acc_v[sl] = acc_v[sl] + val_v[f, sl]
                return c2
            lax.fori_loop(0, b_per_w // (LANES * UNROLL), add, 0)
            return carry
        lax.fori_loop(1, n_fields, drain, 0)

        lr_copy = pltpu.async_copy(
            acc_v, lr_hbm.at[pl.ds(base, b_per_w)], sem_i)

        def finish(i, carry):
            for u in range(UNROLL):
                sl = pl.ds((i * UNROLL + u) * LANES, LANES)
                prob_v[sl] = 1.0 / (1.0 + jnp.exp(-acc_v[sl]))
            return carry
        lax.fori_loop(0, b_per_w // (LANES * UNROLL), finish, 0)

        pltpu.sync_copy(prob_v, prob_hbm.at[pl.ds(base, b_per_w)])
        lr_copy.wait()

    return k


def kernel(x, w, b):
    n_fields, batch = x.shape
    vocab = w.shape[0]
    w_flat = w.reshape(-1)
    bias_arr = jnp.broadcast_to(b.astype(jnp.float32), (LANES,))
    lr_flat, prob_flat = _build(n_fields, batch, vocab)(x, w_flat, bias_arr)
    return lr_flat.reshape(batch, 1), prob_flat.reshape(batch, 1)

# --- scband reference (transcript-rebuilt; emitter-appended) ---
"""Pipeline reference for scband-logistic-regression-67920612819426 (READ-ONLY COPY).

The authoritative reference and input builder live on the scoring server;
editing this copy changes nothing except your own understanding.
"""

import jax, jax.numpy as jnp
import numpy as np

HASH_SIZE = 1000000
N_FIELDS = 26
BATCH = 16384

def setup_inputs(seed: int = 0) -> dict:
    key = jax.random.key(seed)
    k1, k2, k3 = jax.random.split(key, 3)
    x = jax.random.randint(k1, (N_FIELDS, BATCH), 0, HASH_SIZE, dtype=jnp.int64 if jax.config.jax_enable_x64 else jnp.int32).astype(jnp.int32)
    w = jax.random.normal(k2, (HASH_SIZE, 1), dtype=jnp.float32) * 0.01
    b = jax.random.normal(k3, (), dtype=jnp.float32) * 0.01
    return {"x": x, "w": w, "b": b}

def reference(x, w, b):
    # w_x = [embedding_lookup(w, x_i) for x_i in x]  -> gather per field
    w_x = jnp.take(w, x, axis=0)          # [n_fields, batch, 1]
    lr = jnp.sum(w_x, axis=0) + b         # [batch, 1]
    prob = jax.nn.sigmoid(lr)
    return lr, prob

if __name__ == "__main__":
    import jax
    _d = setup_inputs()
    print(jax.jit(kernel)(*tuple(_d.values())))

</pallas_src>

<mosaic_0001>
#map = affine_map<(d0, d1) -> (0, 0)>
#map1 = affine_map<(d0, d1) -> (0)>
module attributes {stable_mosaic.version = 14 : i64} {
  func.func @k(%arg0: i32, %arg1: i32, %arg2: memref<26x16384xi32, #tpu.memory_space<hbm>>, %arg3: memref<1000000xf32, #tpu.memory_space<hbm>>, %arg4: memref<16xf32, #tpu.memory_space<hbm>>, %arg5: memref<16384xf32, #tpu.memory_space<hbm>>, %arg6: memref<16384xf32, #tpu.memory_space<hbm>>, %arg7: memref<1000000xf32, #tpu.memory_space<vmem_shared>>, %arg8: memref<8000xf32, #tpu.memory_space<vmem>>, %arg9: memref<8000xf32, #tpu.memory_space<vmem>>, %arg10: memref<26x512xi32, #tpu.memory_space<vmem>>, %arg11: memref<26x512xf32, #tpu.memory_space<vmem>>, %arg12: memref<512xf32, #tpu.memory_space<vmem>>, %arg13: memref<512xf32, #tpu.memory_space<vmem>>, %arg14: memref<16xf32, #tpu.memory_space<vmem>>, %arg15: memref<!tpu.dma_semaphore, #tpu.memory_space<semaphore_mem>>, %arg16: memref<!tpu.dma_semaphore, #tpu.memory_space<semaphore_mem>>, %arg17: memref<!tpu.dma_semaphore, #tpu.memory_space<semaphore_mem>>) attributes {dimension_semantics = [#tpu.dimension_semantics<core_parallel>, #tpu.dimension_semantics<subcore_parallel>], iteration_bounds = array<i64: 2, 16>, scalar_prefetch = 0 : i64, scratch_operands = 11 : i64, tpu.core_type = #tpu.core_type<sc_vector_subcore>, window_params = [{transform_indices = #map}, {transform_indices = #map1}, {transform_indices = #map1}, {transform_indices = #map1}, {transform_indices = #map1}]} {
    %mul3A = arith.constant 2 : i32
    %mul3A_0 = arith.muli %arg1, %mul3A : i32
    %add3A = arith.addi %mul3A_0, %arg0 : i32
    %mul3A_1 = arith.constant 512 : i32
    %mul3A_2 = arith.muli %add3A, %mul3A_1 : i32
    %dma_start3A = arith.constant 0 : i32
    %dma_start3A_3 = tpu.memref_slice %arg2[%dma_start3A, %mul3A_2] : memref<26x16384xi32, #tpu.memory_space<hbm>> -> memref<26x512xi32, #tpu.memory_space<hbm>>
    %dma_start3A_4 = arith.constant 0 : i32
    %dma_start3A_5 = tpu.memref_slice %arg2[%dma_start3A_4, %mul3A_2] : memref<26x16384xi32, #tpu.memory_space<hbm>> -> memref<26x512xi32, #tpu.memory_space<hbm>>
    tpu.enqueue_dma source(%dma_start3A_5 : memref<26x512xi32, #tpu.memory_space<hbm>>) target(%arg10 : memref<26x512xi32, #tpu.memory_space<vmem>>) target_semaphore(%arg16 : memref<!tpu.dma_semaphore, #tpu.memory_space<semaphore_mem>>)
    "tpu.region"() ({
      %run_scoped3A = tpu.sem_alloc : memref<!tpu.dma_semaphore, #tpu.memory_space<semaphore_mem>>
      tpu.enqueue_dma source(%arg4 : memref<16xf32, #tpu.memory_space<hbm>>) target(%arg14 : memref<16xf32, #tpu.memory_space<vmem>>) target_semaphore(%run_scoped3A : memref<!tpu.dma_semaphore, #tpu.memory_space<semaphore_mem>>)
      tpu.wait_dma2 semaphore(%run_scoped3A : memref<!tpu.dma_semaphore, #tpu.memory_space<semaphore_mem>>) src(%arg4 : memref<16xf32, #tpu.memory_space<hbm>>) dst(%arg14 : memref<16xf32, #tpu.memory_space<vmem>>)
      tpu.yield
    }) : () -> ()
    %mul3A_6 = arith.constant 8 : i32
    %mul3A_7 = arith.muli %arg1, %mul3A_6 : i32
    %lt3A = arith.constant 125 : i32
    %lt3A_8 = arith.cmpi slt, %mul3A_7, %lt3A : i32
    %convert_element_type3A = arith.extui %lt3A_8 : i1 to i32
    %cond3A = arith.constant 0 : i32
    %cond3A_9 = arith.cmpi ne, %convert_element_type3A, %cond3A : i32
    scf.if %cond3A_9 {
      %mul3A_154 = arith.constant 8 : i32
      %mul3A_155 = arith.muli %arg1, %mul3A_154 : i32
      %add3A_156 = arith.constant 0 : i32
      %add3A_157 = arith.addi %mul3A_155, %add3A_156 : i32
      %mul3A_158 = arith.constant 8000 : i32
      %mul3A_159 = arith.muli %add3A_157, %mul3A_158 : i32
      %dma_start3A_160 = tpu.memref_slice %arg3[%mul3A_159] : memref<1000000xf32, #tpu.memory_space<hbm>> -> memref<8000xf32, #tpu.memory_space<hbm>>
      %dma_start3A_161 = tpu.memref_slice %arg3[%mul3A_159] : memref<1000000xf32, #tpu.memory_space<hbm>> -> memref<8000xf32, #tpu.memory_space<hbm>>
      tpu.enqueue_dma source(%dma_start3A_161 : memref<8000xf32, #tpu.memory_space<hbm>>) target(%arg8 : memref<8000xf32, #tpu.memory_space<vmem>>) target_semaphore(%arg17 : memref<!tpu.dma_semaphore, #tpu.memory_space<semaphore_mem>>)
    } else {
    }
    %mul3A_10 = arith.constant 8 : i32
    %mul3A_11 = arith.muli %arg1, %mul3A_10 : i32
    %add3A_12 = arith.constant 0 : i32
    %add3A_13 = arith.addi %mul3A_11, %add3A_12 : i32
    %lt3A_14 = arith.constant 125 : i32
    %lt3A_15 = arith.cmpi slt, %add3A_13, %lt3A_14 : i32
    %convert_element_type3A_16 = arith.extui %lt3A_15 : i1 to i32
    %cond3A_17 = arith.constant 0 : i32
    %cond3A_18 = arith.cmpi ne, %convert_element_type3A_16, %cond3A_17 : i32
    scf.if %cond3A_18 {
      %mul3A_154 = arith.constant 8000 : i32
      %mul3A_155 = arith.muli %add3A_13, %mul3A_154 : i32
      %dma_wait3A_156 = tpu.memref_slice %arg3[%mul3A_155] : memref<1000000xf32, #tpu.memory_space<hbm>> -> memref<8000xf32, #tpu.memory_space<hbm>>
      %dma_wait3A_157 = tpu.memref_slice %arg3[%mul3A_155] : memref<1000000xf32, #tpu.memory_space<hbm>> -> memref<8000xf32, #tpu.memory_space<hbm>>
      tpu.wait_dma2 semaphore(%arg17 : memref<!tpu.dma_semaphore, #tpu.memory_space<semaphore_mem>>) src(%dma_wait3A_157 : memref<8000xf32, #tpu.memory_space<hbm>>) dst(%arg8 : memref<8000xf32, #tpu.memory_space<vmem>>)
      %add3A_158 = arith.constant 1 : i32
      %add3A_159 = arith.addi %add3A_13, %add3A_158 : i32
      %lt3A_160 = arith.constant 125 : i32
      %lt3A_161 = arith.cmpi slt, %add3A_159, %lt3A_160 : i32
      %convert_element_type3A_162 = arith.extui %lt3A_161 : i1 to i32
      %cond3A_163 = arith.constant 0 : i32
      %cond3A_164 = arith.cmpi ne, %convert_element_type3A_162, %cond3A_163 : i32
      scf.if %cond3A_164 {
        %mul3A_167 = arith.constant 8 : i32
        %mul3A_168 = arith.muli %arg1, %mul3A_167 : i32
        %add3A_169 = arith.constant 1 : i32
        %add3A_170 = arith.addi %mul3A_168, %add3A_169 : i32
        %mul3A_171 = arith.constant 8000 : i32
        %mul3A_172 = arith.muli %add3A_170, %mul3A_171 : i32
        %dma_start3A_173 = tpu.memref_slice %arg3[%mul3A_172] : memref<1000000xf32, #tpu.memory_space<hbm>> -> memref<8000xf32, #tpu.memory_space<hbm>>
        %dma_start3A_174 = tpu.memref_slice %arg3[%mul3A_172] : memref<1000000xf32, #tpu.memory_space<hbm>> -> memref<8000xf32, #tpu.memory_space<hbm>>
        tpu.enqueue_dma source(%dma_start3A_174 : memref<8000xf32, #tpu.memory_space<hbm>>) target(%arg9 : memref<8000xf32, #tpu.memory_space<vmem>>) target_semaphore(%arg17 : memref<!tpu.dma_semaphore, #tpu.memory_space<semaphore_mem>>)
      } else {
      }
      %mul3A_165 = arith.constant 8000 : i32
      %mul3A_166 = arith.muli %add3A_13, %mul3A_165 : i32
      "tpu.region"() ({
        %run_scoped3A = tpu.sem_alloc : memref<!tpu.dma_semaphore, #tpu.memory_space<semaphore_mem>>
        %dma_start3A_167 = tpu.memref_slice %arg7[%mul3A_166] : memref<1000000xf32, #tpu.memory_space<vmem_shared>> -> memref<8000xf32, #tpu.memory_space<vmem_shared>>
        %dma_start3A_168 = tpu.memref_slice %arg7[%mul3A_166] : memref<1000000xf32, #tpu.memory_space<vmem_shared>> -> memref<8000xf32, #tpu.memory_space<vmem_shared>>
        tpu.enqueue_dma source(%arg8 : memref<8000xf32, #tpu.memory_space<vmem>>) target(%dma_start3A_168 : memref<8000xf32, #tpu.memory_space<vmem_shared>>) target_semaphore(%run_scoped3A : memref<!tpu.dma_semaphore, #tpu.memory_space<semaphore_mem>>)
        %dma_wait3A_169 = tpu.memref_slice %arg7[%mul3A_166] : memref<1000000xf32, #tpu.memory_space<vmem_shared>> -> memref<8000xf32, #tpu.memory_space<vmem_shared>>
        %dma_wait3A_170 = tpu.memref_slice %arg7[%mul3A_166] : memref<1000000xf32, #tpu.memory_space<vmem_shared>> -> memref<8000xf32, #tpu.memory_space<vmem_shared>>
        tpu.wait_dma2 semaphore(%run_scoped3A : memref<!tpu.dma_semaphore, #tpu.memory_space<semaphore_mem>>) src(%arg8 : memref<8000xf32, #tpu.memory_space<vmem>>) dst(%dma_wait3A_170 : memref<8000xf32, #tpu.memory_space<vmem_shared>>)
        tpu.yield
      }) : () -> ()
    } else {
    }
    %mul3A_19 = arith.constant 8 : i32
    %mul3A_20 = arith.muli %arg1, %mul3A_19 : i32
    %add3A_21 = arith.constant 1 : i32
    %add3A_22 = arith.addi %mul3A_20, %add3A_21 : i32
    %lt3A_23 = arith.constant 125 : i32
    %lt3A_24 = arith.cmpi slt, %add3A_22, %lt3A_23 : i32
    %convert_element_type3A_25 = arith.extui %lt3A_24 : i1 to i32
    %cond3A_26 = arith.constant 0 : i32
    %cond3A_27 = arith.cmpi ne, %convert_element_type3A_25, %cond3A_26 : i32
    scf.if %cond3A_27 {
      %mul3A_154 = arith.constant 8000 : i32
      %mul3A_155 = arith.muli %add3A_22, %mul3A_154 : i32
      %dma_wait3A_156 = tpu.memref_slice %arg3[%mul3A_155] : memref<1000000xf32, #tpu.memory_space<hbm>> -> memref<8000xf32, #tpu.memory_space<hbm>>
      %dma_wait3A_157 = tpu.memref_slice %arg3[%mul3A_155] : memref<1000000xf32, #tpu.memory_space<hbm>> -> memref<8000xf32, #tpu.memory_space<hbm>>
      tpu.wait_dma2 semaphore(%arg17 : memref<!tpu.dma_semaphore, #tpu.memory_space<semaphore_mem>>) src(%dma_wait3A_157 : memref<8000xf32, #tpu.memory_space<hbm>>) dst(%arg9 : memref<8000xf32, #tpu.memory_space<vmem>>)
      %add3A_158 = arith.constant 1 : i32
      %add3A_159 = arith.addi %add3A_22, %add3A_158 : i32
      %lt3A_160 = arith.constant 125 : i32
      %lt3A_161 = arith.cmpi slt, %add3A_159, %lt3A_160 : i32
      %convert_element_type3A_162 = arith.extui %lt3A_161 : i1 to i32
      %cond3A_163 = arith.constant 0 : i32
      %cond3A_164 = arith.cmpi ne, %convert_element_type3A_162, %cond3A_163 : i32
      scf.if %cond3A_164 {
        %mul3A_167 = arith.constant 8 : i32
        %mul3A_168 = arith.muli %arg1, %mul3A_167 : i32
        %add3A_169 = arith.constant 2 : i32
        %add3A_170 = arith.addi %mul3A_168, %add3A_169 : i32
        %mul3A_171 = arith.constant 8000 : i32
        %mul3A_172 = arith.muli %add3A_170, %mul3A_171 : i32
        %dma_start3A_173 = tpu.memref_slice %arg3[%mul3A_172] : memref<1000000xf32, #tpu.memory_space<hbm>> -> memref<8000xf32, #tpu.memory_space<hbm>>
        %dma_start3A_174 = tpu.memref_slice %arg3[%mul3A_172] : memref<1000000xf32, #tpu.memory_space<hbm>> -> memref<8000xf32, #tpu.memory_space<hbm>>
        tpu.enqueue_dma source(%dma_start3A_174 : memref<8000xf32, #tpu.memory_space<hbm>>) target(%arg8 : memref<8000xf32, #tpu.memory_space<vmem>>) target_semaphore(%arg17 : memref<!tpu.dma_semaphore, #tpu.memory_space<semaphore_mem>>)
      } else {
      }
      %mul3A_165 = arith.constant 8000 : i32
      %mul3A_166 = arith.muli %add3A_22, %mul3A_165 : i32
      "tpu.region"() ({
        %run_scoped3A = tpu.sem_alloc : memref<!tpu.dma_semaphore, #tpu.memory_space<semaphore_mem>>
        %dma_start3A_167 = tpu.memref_slice %arg7[%mul3A_166] : memref<1000000xf32, #tpu.memory_space<vmem_shared>> -> memref<8000xf32, #tpu.memory_space<vmem_shared>>
        %dma_start3A_168 = tpu.memref_slice %arg7[%mul3A_166] : memref<1000000xf32, #tpu.memory_space<vmem_shared>> -> memref<8000xf32, #tpu.memory_space<vmem_shared>>
        tpu.enqueue_dma source(%arg9 : memref<8000xf32, #tpu.memory_space<vmem>>) target(%dma_start3A_168 : memref<8000xf32, #tpu.memory_space<vmem_shared>>) target_semaphore(%run_scoped3A : memref<!tpu.dma_semaphore, #tpu.memory_space<semaphore_mem>>)
        %dma_wait3A_169 = tpu.memref_slice %arg7[%mul3A_166] : memref<1000000xf32, #tpu.memory_space<vmem_shared>> -> memref<8000xf32, #tpu.memory_space<vmem_shared>>
        %dma_wait3A_170 = tpu.memref_slice %arg7[%mul3A_166] : memref<1000000xf32, #tpu.memory_space<vmem_shared>> -> memref<8000xf32, #tpu.memory_space<vmem_shared>>
        tpu.wait_dma2 semaphore(%run_scoped3A : memref<!tpu.dma_semaphore, #tpu.memory_space<semaphore_mem>>) src(%arg9 : memref<8000xf32, #tpu.memory_space<vmem>>) dst(%dma_wait3A_170 : memref<8000xf32, #tpu.memory_space<vmem_shared>>)
        tpu.yield
      }) : () -> ()
    } else {
    }
    %mul3A_28 = arith.constant 8 : i32
    %mul3A_29 = arith.muli %arg1, %mul3A_28 : i32
    %add3A_30 = arith.constant 2 : i32
    %add3A_31 = arith.addi %mul3A_29, %add3A_30 : i32
    %lt3A_32 = arith.constant 125 : i32
    %lt3A_33 = arith.cmpi slt, %add3A_31, %lt3A_32 : i32
    %convert_element_type3A_34 = arith.extui %lt3A_33 : i1 to i32
    %cond3A_35 = arith.constant 0 : i32
    %cond3A_36 = arith.cmpi ne, %convert_element_type3A_34, %cond3A_35 : i32
    scf.if %cond3A_36 {
      %mul3A_154 = arith.constant 8000 : i32
      %mul3A_155 = arith.muli %add3A_31, %mul3A_154 : i32
      %dma_wait3A_156 = tpu.memref_slice %arg3[%mul3A_155] : memref<1000000xf32, #tpu.memory_space<hbm>> -> memref<8000xf32, #tpu.memory_space<hbm>>
      %dma_wait3A_157 = tpu.memref_slice %arg3[%mul3A_155] : memref<1000000xf32, #tpu.memory_space<hbm>> -> memref<8000xf32, #tpu.memory_space<hbm>>
      tpu.wait_dma2 semaphore(%arg17 : memref<!tpu.dma_semaphore, #tpu.memory_space<semaphore_mem>>) src(%dma_wait3A_157 : memref<8000xf32, #tpu.memory_space<hbm>>) dst(%arg8 : memref<8000xf32, #tpu.memory_space<vmem>>)
      %add3A_158 = arith.constant 1 : i32
      %add3A_159 = arith.addi %add3A_31, %add3A_158 : i32
      %lt3A_160 = arith.constant 125 : i32
      %lt3A_161 = arith.cmpi slt, %add3A_159, %lt3A_160 : i32
      %convert_element_type3A_162 = arith.extui %lt3A_161 : i1 to i32
      %cond3A_163 = arith.constant 0 : i32
      %cond3A_164 = arith.cmpi ne, %convert_element_type3A_162, %cond3A_163 : i32
      scf.if %cond3A_164 {
        %mul3A_167 = arith.constant 8 : i32
        %mul3A_168 = arith.muli %arg1, %mul3A_167 : i32
        %add3A_169 = arith.constant 3 : i32
        %add3A_170 = arith.addi %mul3A_168, %add3A_169 : i32
        %mul3A_171 = arith.constant 8000 : i32
        %mul3A_172 = arith.muli %add3A_170, %mul3A_171 : i32
        %dma_start3A_173 = tpu.memref_slice %arg3[%mul3A_172] : memref<1000000xf32, #tpu.memory_space<hbm>> -> memref<8000xf32, #tpu.memory_space<hbm>>
        %dma_start3A_174 = tpu.memref_slice %arg3[%mul3A_172] : memref<1000000xf32, #tpu.memory_space<hbm>> -> memref<8000xf32, #tpu.memory_space<hbm>>
        tpu.enqueue_dma source(%dma_start3A_174 : memref<8000xf32, #tpu.memory_space<hbm>>) target(%arg9 : memref<8000xf32, #tpu.memory_space<vmem>>) target_semaphore(%arg17 : memref<!tpu.dma_semaphore, #tpu.memory_space<semaphore_mem>>)
      } else {
      }
      %mul3A_165 = arith.constant 8000 : i32
      %mul3A_166 = arith.muli %add3A_31, %mul3A_165 : i32
      "tpu.region"() ({
        %run_scoped3A = tpu.sem_alloc : memref<!tpu.dma_semaphore, #tpu.memory_space<semaphore_mem>>
        %dma_start3A_167 = tpu.memref_slice %arg7[%mul3A_166] : memref<1000000xf32, #tpu.memory_space<vmem_shared>> -> memref<8000xf32, #tpu.memory_space<vmem_shared>>
        %dma_start3A_168 = tpu.memref_slice %arg7[%mul3A_166] : memref<1000000xf32, #tpu.memory_space<vmem_shared>> -> memref<8000xf32, #tpu.memory_space<vmem_shared>>
        tpu.enqueue_dma source(%arg8 : memref<8000xf32, #tpu.memory_space<vmem>>) target(%dma_start3A_168 : memref<8000xf32, #tpu.memory_space<vmem_shared>>) target_semaphore(%run_scoped3A : memref<!tpu.dma_semaphore, #tpu.memory_space<semaphore_mem>>)
        %dma_wait3A_169 = tpu.memref_slice %arg7[%mul3A_166] : memref<1000000xf32, #tpu.memory_space<vmem_shared>> -> memref<8000xf32, #tpu.memory_space<vmem_shared>>
        %dma_wait3A_170 = tpu.memref_slice %arg7[%mul3A_166] : memref<1000000xf32, #tpu.memory_space<vmem_shared>> -> memref<8000xf32, #tpu.memory_space<vmem_shared>>
        tpu.wait_dma2 semaphore(%run_scoped3A : memref<!tpu.dma_semaphore, #tpu.memory_space<semaphore_mem>>) src(%arg8 : memref<8000xf32, #tpu.memory_space<vmem>>) dst(%dma_wait3A_170 : memref<8000xf32, #tpu.memory_space<vmem_shared>>)
        tpu.yield
      }) : () -> ()
    } else {
    }
    %mul3A_37 = arith.constant 8 : i32
    %mul3A_38 = arith.muli %arg1, %mul3A_37 : i32
    %add3A_39 = arith.constant 3 : i32
    %add3A_40 = arith.addi %mul3A_38, %add3A_39 : i32
    %lt3A_41 = arith.constant 125 : i32
    %lt3A_42 = arith.cmpi slt, %add3A_40, %lt3A_41 : i32
    %convert_element_type3A_43 = arith.extui %lt3A_42 : i1 to i32
    %cond3A_44 = arith.constant 0 : i32
    %cond3A_45 = arith.cmpi ne, %convert_element_type3A_43, %cond3A_44 : i32
    scf.if %cond3A_45 {
      %mul3A_154 = arith.constant 8000 : i32
      %mul3A_155 = arith.muli %add3A_40, %mul3A_154 : i32
      %dma_wait3A_156 = tpu.memref_slice %arg3[%mul3A_155] : memref<1000000xf32, #tpu.memory_space<hbm>> -> memref<8000xf32, #tpu.memory_space<hbm>>
      %dma_wait3A_157 = tpu.memref_slice %arg3[%mul3A_155] : memref<1000000xf32, #tpu.memory_space<hbm>> -> memref<8000xf32, #tpu.memory_space<hbm>>
      tpu.wait_dma2 semaphore(%arg17 : memref<!tpu.dma_semaphore, #tpu.memory_space<semaphore_mem>>) src(%dma_wait3A_157 : memref<8000xf32, #tpu.memory_space<hbm>>) dst(%arg9 : memref<8000xf32, #tpu.memory_space<vmem>>)
      %add3A_158 = arith.constant 1 : i32
      %add3A_159 = arith.addi %add3A_40, %add3A_158 : i32
      %lt3A_160 = arith.constant 125 : i32
      %lt3A_161 = arith.cmpi slt, %add3A_159, %lt3A_160 : i32
      %convert_element_type3A_162 = arith.extui %lt3A_161 : i1 to i32
      %cond3A_163 = arith.constant 0 : i32
      %cond3A_164 = arith.cmpi ne, %convert_element_type3A_162, %cond3A_163 : i32
      scf.if %cond3A_164 {
        %mul3A_167 = arith.constant 8 : i32
        %mul3A_168 = arith.muli %arg1, %mul3A_167 : i32
        %add3A_169 = arith.constant 4 : i32
        %add3A_170 = arith.addi %mul3A_168, %add3A_169 : i32
        %mul3A_171 = arith.constant 8000 : i32
        %mul3A_172 = arith.muli %add3A_170, %mul3A_171 : i32
        %dma_start3A_173 = tpu.memref_slice %arg3[%mul3A_172] : memref<1000000xf32, #tpu.memory_space<hbm>> -> memref<8000xf32, #tpu.memory_space<hbm>>
        %dma_start3A_174 = tpu.memref_slice %arg3[%mul3A_172] : memref<1000000xf32, #tpu.memory_space<hbm>> -> memref<8000xf32, #tpu.memory_space<hbm>>
        tpu.enqueue_dma source(%dma_start3A_174 : memref<8000xf32, #tpu.memory_space<hbm>>) target(%arg8 : memref<8000xf32, #tpu.memory_space<vmem>>) target_semaphore(%arg17 : memref<!tpu.dma_semaphore, #tpu.memory_space<semaphore_mem>>)
      } else {
      }
      %mul3A_165 = arith.constant 8000 : i32
      %mul3A_166 = arith.muli %add3A_40, %mul3A_165 : i32
      "tpu.region"() ({
        %run_scoped3A = tpu.sem_alloc : memref<!tpu.dma_semaphore, #tpu.memory_space<semaphore_mem>>
        %dma_start3A_167 = tpu.memref_slice %arg7[%mul3A_166] : memref<1000000xf32, #tpu.memory_space<vmem_shared>> -> memref<8000xf32, #tpu.memory_space<vmem_shared>>
        %dma_start3A_168 = tpu.memref_slice %arg7[%mul3A_166] : memref<1000000xf32, #tpu.memory_space<vmem_shared>> -> memref<8000xf32, #tpu.memory_space<vmem_shared>>
        tpu.enqueue_dma source(%arg9 : memref<8000xf32, #tpu.memory_space<vmem>>) target(%dma_start3A_168 : memref<8000xf32, #tpu.memory_space<vmem_shared>>) target_semaphore(%run_scoped3A : memref<!tpu.dma_semaphore, #tpu.memory_space<semaphore_mem>>)
        %dma_wait3A_169 = tpu.memref_slice %arg7[%mul3A_166] : memref<1000000xf32, #tpu.memory_space<vmem_shared>> -> memref<8000xf32, #tpu.memory_space<vmem_shared>>
        %dma_wait3A_170 = tpu.memref_slice %arg7[%mul3A_166] : memref<1000000xf32, #tpu.memory_space<vmem_shared>> -> memref<8000xf32, #tpu.memory_space<vmem_shared>>
        tpu.wait_dma2 semaphore(%run_scoped3A : memref<!tpu.dma_semaphore, #tpu.memory_space<semaphore_mem>>) src(%arg9 : memref<8000xf32, #tpu.memory_space<vmem>>) dst(%dma_wait3A_170 : memref<8000xf32, #tpu.memory_space<vmem_shared>>)
        tpu.yield
      }) : () -> ()
    } else {
    }
    %mul3A_46 = arith.constant 8 : i32
    %mul3A_47 = arith.muli %arg1, %mul3A_46 : i32
    %add3A_48 = arith.constant 4 : i32
    %add3A_49 = arith.addi %mul3A_47, %add3A_48 : i32
    %lt3A_50 = arith.constant 125 : i32
    %lt3A_51 = arith.cmpi slt, %add3A_49, %lt3A_50 : i32
    %convert_element_type3A_52 = arith.extui %lt3A_51 : i1 to i32
    %cond3A_53 = arith.constant 0 : i32
    %cond3A_54 = arith.cmpi ne, %convert_element_type3A_52, %cond3A_53 : i32
    scf.if %cond3A_54 {
      %mul3A_154 = arith.constant 8000 : i32
      %mul3A_155 = arith.muli %add3A_49, %mul3A_154 : i32
      %dma_wait3A_156 = tpu.memref_slice %arg3[%mul3A_155] : memref<1000000xf32, #tpu.memory_space<hbm>> -> memref<8000xf32, #tpu.memory_space<hbm>>
      %dma_wait3A_157 = tpu.memref_slice %arg3[%mul3A_155] : memref<1000000xf32, #tpu.memory_space<hbm>> -> memref<8000xf32, #tpu.memory_space<hbm>>
      tpu.wait_dma2 semaphore(%arg17 : memref<!tpu.dma_semaphore, #tpu.memory_space<semaphore_mem>>) src(%dma_wait3A_157 : memref<8000xf32, #tpu.memory_space<hbm>>) dst(%arg8 : memref<8000xf32, #tpu.memory_space<vmem>>)
      %add3A_158 = arith.constant 1 : i32
      %add3A_159 = arith.addi %add3A_49, %add3A_158 : i32
      %lt3A_160 = arith.constant 125 : i32
      %lt3A_161 = arith.cmpi slt, %add3A_159, %lt3A_160 : i32
      %convert_element_type3A_162 = arith.extui %lt3A_161 : i1 to i32
      %cond3A_163 = arith.constant 0 : i32
      %cond3A_164 = arith.cmpi ne, %convert_element_type3A_162, %cond3A_163 : i32
      scf.if %cond3A_164 {
        %mul3A_167 = arith.constant 8 : i32
        %mul3A_168 = arith.muli %arg1, %mul3A_167 : i32
        %add3A_169 = arith.constant 5 : i32
        %add3A_170 = arith.addi %mul3A_168, %add3A_169 : i32
        %mul3A_171 = arith.constant 8000 : i32
        %mul3A_172 = arith.muli %add3A_170, %mul3A_171 : i32
        %dma_start3A_173 = tpu.memref_slice %arg3[%mul3A_172] : memref<1000000xf32, #tpu.memory_space<hbm>> -> memref<8000xf32, #tpu.memory_space<hbm>>
        %dma_start3A_174 = tpu.memref_slice %arg3[%mul3A_172] : memref<1000000xf32, #tpu.memory_space<hbm>> -> memref<8000xf32, #tpu.memory_space<hbm>>
        tpu.enqueue_dma source(%dma_start3A_174 : memref<8000xf32, #tpu.memory_space<hbm>>) target(%arg9 : memref<8000xf32, #tpu.memory_space<vmem>>) target_semaphore(%arg17 : memref<!tpu.dma_semaphore, #tpu.memory_space<semaphore_mem>>)
      } else {
      }
      %mul3A_165 = arith.constant 8000 : i32
      %mul3A_166 = arith.muli %add3A_49, %mul3A_165 : i32
      "tpu.region"() ({
        %run_scoped3A = tpu.sem_alloc : memref<!tpu.dma_semaphore, #tpu.memory_space<semaphore_mem>>
        %dma_start3A_167 = tpu.memref_slice %arg7[%mul3A_166] : memref<1000000xf32, #tpu.memory_space<vmem_shared>> -> memref<8000xf32, #tpu.memory_space<vmem_shared>>
        %dma_start3A_168 = tpu.memref_slice %arg7[%mul3A_166] : memref<1000000xf32, #tpu.memory_space<vmem_shared>> -> memref<8000xf32, #tpu.memory_space<vmem_shared>>
        tpu.enqueue_dma source(%arg8 : memref<8000xf32, #tpu.memory_space<vmem>>) target(%dma_start3A_168 : memref<8000xf32, #tpu.memory_space<vmem_shared>>) target_semaphore(%run_scoped3A : memref<!tpu.dma_semaphore, #tpu.memory_space<semaphore_mem>>)
        %dma_wait3A_169 = tpu.memref_slice %arg7[%mul3A_166] : memref<1000000xf32, #tpu.memory_space<vmem_shared>> -> memref<8000xf32, #tpu.memory_space<vmem_shared>>
        %dma_wait3A_170 = tpu.memref_slice %arg7[%mul3A_166] : memref<1000000xf32, #tpu.memory_space<vmem_shared>> -> memref<8000xf32, #tpu.memory_space<vmem_shared>>
        tpu.wait_dma2 semaphore(%run_scoped3A : memref<!tpu.dma_semaphore, #tpu.memory_space<semaphore_mem>>) src(%arg8 : memref<8000xf32, #tpu.memory_space<vmem>>) dst(%dma_wait3A_170 : memref<8000xf32, #tpu.memory_space<vmem_shared>>)
        tpu.yield
      }) : () -> ()
    } else {
    }
    %mul3A_55 = arith.constant 8 : i32
    %mul3A_56 = arith.muli %arg1, %mul3A_55 : i32
    %add3A_57 = arith.constant 5 : i32
    %add3A_58 = arith.addi %mul3A_56, %add3A_57 : i32
    %lt3A_59 = arith.constant 125 : i32
    %lt3A_60 = arith.cmpi slt, %add3A_58, %lt3A_59 : i32
    %convert_element_type3A_61 = arith.extui %lt3A_60 : i1 to i32
    %cond3A_62 = arith.constant 0 : i32
    %cond3A_63 = arith.cmpi ne, %convert_element_type3A_61, %cond3A_62 : i32
    scf.if %cond3A_63 {
      %mul3A_154 = arith.constant 8000 : i32
      %mul3A_155 = arith.muli %add3A_58, %mul3A_154 : i32
      %dma_wait3A_156 = tpu.memref_slice %arg3[%mul3A_155] : memref<1000000xf32, #tpu.memory_space<hbm>> -> memref<8000xf32, #tpu.memory_space<hbm>>
      %dma_wait3A_157 = tpu.memref_slice %arg3[%mul3A_155] : memref<1000000xf32, #tpu.memory_space<hbm>> -> memref<8000xf32, #tpu.memory_space<hbm>>
      tpu.wait_dma2 semaphore(%arg17 : memref<!tpu.dma_semaphore, #tpu.memory_space<semaphore_mem>>) src(%dma_wait3A_157 : memref<8000xf32, #tpu.memory_space<hbm>>) dst(%arg9 : memref<8000xf32, #tpu.memory_space<vmem>>)
      %add3A_158 = arith.constant 1 : i32
      %add3A_159 = arith.addi %add3A_58, %add3A_158 : i32
      %lt3A_160 = arith.constant 125 : i32
      %lt3A_161 = arith.cmpi slt, %add3A_159, %lt3A_160 : i32
      %convert_element_type3A_162 = arith.extui %lt3A_161 : i1 to i32
      %cond3A_163 = arith.constant 0 : i32
      %cond3A_164 = arith.cmpi ne, %convert_element_type3A_162, %cond3A_163 : i32
      scf.if %cond3A_164 {
        %mul3A_167 = arith.constant 8 : i32
        %mul3A_168 = arith.muli %arg1, %mul3A_167 : i32
        %add3A_169 = arith.constant 6 : i32
        %add3A_170 = arith.addi %mul3A_168, %add3A_169 : i32
        %mul3A_171 = arith.constant 8000 : i32
        %mul3A_172 = arith.muli %add3A_170, %mul3A_171 : i32
        %dma_start3A_173 = tpu.memref_slice %arg3[%mul3A_172] : memref<1000000xf32, #tpu.memory_space<hbm>> -> memref<8000xf32, #tpu.memory_space<hbm>>
        %dma_start3A_174 = tpu.memref_slice %arg3[%mul3A_172] : memref<1000000xf32, #tpu.memory_space<hbm>> -> memref<8000xf32, #tpu.memory_space<hbm>>
        tpu.enqueue_dma source(%dma_start3A_174 : memref<8000xf32, #tpu.memory_space<hbm>>) target(%arg8 : memref<8000xf32, #tpu.memory_space<vmem>>) target_semaphore(%arg17 : memref<!tpu.dma_semaphore, #tpu.memory_space<semaphore_mem>>)
      } else {
      }
      %mul3A_165 = arith.constant 8000 : i32
      %mul3A_166 = arith.muli %add3A_58, %mul3A_165 : i32
      "tpu.region"() ({
        %run_scoped3A = tpu.sem_alloc : memref<!tpu.dma_semaphore, #tpu.memory_space<semaphore_mem>>
        %dma_start3A_167 = tpu.memref_slice %arg7[%mul3A_166] : memref<1000000xf32, #tpu.memory_space<vmem_shared>> -> memref<8000xf32, #tpu.memory_space<vmem_shared>>
        %dma_start3A_168 = tpu.memref_slice %arg7[%mul3A_166] : memref<1000000xf32, #tpu.memory_space<vmem_shared>> -> memref<8000xf32, #tpu.memory_space<vmem_shared>>
        tpu.enqueue_dma source(%arg9 : memref<8000xf32, #tpu.memory_space<vmem>>) target(%dma_start3A_168 : memref<8000xf32, #tpu.memory_space<vmem_shared>>) target_semaphore(%run_scoped3A : memref<!tpu.dma_semaphore, #tpu.memory_space<semaphore_mem>>)
        %dma_wait3A_169 = tpu.memref_slice %arg7[%mul3A_166] : memref<1000000xf32, #tpu.memory_space<vmem_shared>> -> memref<8000xf32, #tpu.memory_space<vmem_shared>>
        %dma_wait3A_170 = tpu.memref_slice %arg7[%mul3A_166] : memref<1000000xf32, #tpu.memory_space<vmem_shared>> -> memref<8000xf32, #tpu.memory_space<vmem_shared>>
        tpu.wait_dma2 semaphore(%run_scoped3A : memref<!tpu.dma_semaphore, #tpu.memory_space<semaphore_mem>>) src(%arg9 : memref<8000xf32, #tpu.memory_space<vmem>>) dst(%dma_wait3A_170 : memref<8000xf32, #tpu.memory_space<vmem_shared>>)
        tpu.yield
      }) : () -> ()
    } else {
    }
    %mul3A_64 = arith.constant 8 : i32
    %mul3A_65 = arith.muli %arg1, %mul3A_64 : i32
    %add3A_66 = arith.constant 6 : i32
    %add3A_67 = arith.addi %mul3A_65, %add3A_66 : i32
    %lt3A_68 = arith.constant 125 : i32
    %lt3A_69 = arith.cmpi slt, %add3A_67, %lt3A_68 : i32
    %convert_element_type3A_70 = arith.extui %lt3A_69 : i1 to i32
    %cond3A_71 = arith.constant 0 : i32
    %cond3A_72 = arith.cmpi ne, %convert_element_type3A_70, %cond3A_71 : i32
    scf.if %cond3A_72 {
      %mul3A_154 = arith.constant 8000 : i32
      %mul3A_155 = arith.muli %add3A_67, %mul3A_154 : i32
      %dma_wait3A_156 = tpu.memref_slice %arg3[%mul3A_155] : memref<1000000xf32, #tpu.memory_space<hbm>> -> memref<8000xf32, #tpu.memory_space<hbm>>
      %dma_wait3A_157 = tpu.memref_slice %arg3[%mul3A_155] : memref<1000000xf32, #tpu.memory_space<hbm>> -> memref<8000xf32, #tpu.memory_space<hbm>>
      tpu.wait_dma2 semaphore(%arg17 : memref<!tpu.dma_semaphore, #tpu.memory_space<semaphore_mem>>) src(%dma_wait3A_157 : memref<8000xf32, #tpu.memory_space<hbm>>) dst(%arg8 : memref<8000xf32, #tpu.memory_space<vmem>>)
      %add3A_158 = arith.constant 1 : i32
      %add3A_159 = arith.addi %add3A_67, %add3A_158 : i32
      %lt3A_160 = arith.constant 125 : i32
      %lt3A_161 = arith.cmpi slt, %add3A_159, %lt3A_160 : i32
      %convert_element_type3A_162 = arith.extui %lt3A_161 : i1 to i32
      %cond3A_163 = arith.constant 0 : i32
      %cond3A_164 = arith.cmpi ne, %convert_element_type3A_162, %cond3A_163 : i32
      scf.if %cond3A_164 {
        %mul3A_167 = arith.constant 8 : i32
        %mul3A_168 = arith.muli %arg1, %mul3A_167 : i32
        %add3A_169 = arith.constant 7 : i32
        %add3A_170 = arith.addi %mul3A_168, %add3A_169 : i32
        %mul3A_171 = arith.constant 8000 : i32
        %mul3A_172 = arith.muli %add3A_170, %mul3A_171 : i32
        %dma_start3A_173 = tpu.memref_slice %arg3[%mul3A_172] : memref<1000000xf32, #tpu.memory_space<hbm>> -> memref<8000xf32, #tpu.memory_space<hbm>>
        %dma_start3A_174 = tpu.memref_slice %arg3[%mul3A_172] : memref<1000000xf32, #tpu.memory_space<hbm>> -> memref<8000xf32, #tpu.memory_space<hbm>>
        tpu.enqueue_dma source(%dma_start3A_174 : memref<8000xf32, #tpu.memory_space<hbm>>) target(%arg9 : memref<8000xf32, #tpu.memory_space<vmem>>) target_semaphore(%arg17 : memref<!tpu.dma_semaphore, #tpu.memory_space<semaphore_mem>>)
      } else {
      }
      %mul3A_165 = arith.constant 8000 : i32
      %mul3A_166 = arith.muli %add3A_67, %mul3A_165 : i32
      "tpu.region"() ({
        %run_scoped3A = tpu.sem_alloc : memref<!tpu.dma_semaphore, #tpu.memory_space<semaphore_mem>>
        %dma_start3A_167 = tpu.memref_slice %arg7[%mul3A_166] : memref<1000000xf32, #tpu.memory_space<vmem_shared>> -> memref<8000xf32, #tpu.memory_space<vmem_shared>>
        %dma_start3A_168 = tpu.memref_slice %arg7[%mul3A_166] : memref<1000000xf32, #tpu.memory_space<vmem_shared>> -> memref<8000xf32, #tpu.memory_space<vmem_shared>>
        tpu.enqueue_dma source(%arg8 : memref<8000xf32, #tpu.memory_space<vmem>>) target(%dma_start3A_168 : memref<8000xf32, #tpu.memory_space<vmem_shared>>) target_semaphore(%run_scoped3A : memref<!tpu.dma_semaphore, #tpu.memory_space<semaphore_mem>>)
        %dma_wait3A_169 = tpu.memref_slice %arg7[%mul3A_166] : memref<1000000xf32, #tpu.memory_space<vmem_shared>> -> memref<8000xf32, #tpu.memory_space<vmem_shared>>
        %dma_wait3A_170 = tpu.memref_slice %arg7[%mul3A_166] : memref<1000000xf32, #tpu.memory_space<vmem_shared>> -> memref<8000xf32, #tpu.memory_space<vmem_shared>>
        tpu.wait_dma2 semaphore(%run_scoped3A : memref<!tpu.dma_semaphore, #tpu.memory_space<semaphore_mem>>) src(%arg8 : memref<8000xf32, #tpu.memory_space<vmem>>) dst(%dma_wait3A_170 : memref<8000xf32, #tpu.memory_space<vmem_shared>>)
        tpu.yield
      }) : () -> ()
    } else {
    }
    %mul3A_73 = arith.constant 8 : i32
    %mul3A_74 = arith.muli %arg1, %mul3A_73 : i32
    %add3A_75 = arith.constant 7 : i32
    %add3A_76 = arith.addi %mul3A_74, %add3A_75 : i32
    %lt3A_77 = arith.constant 125 : i32
    %lt3A_78 = arith.cmpi slt, %add3A_76, %lt3A_77 : i32
    %convert_element_type3A_79 = arith.extui %lt3A_78 : i1 to i32
    %cond3A_80 = arith.constant 0 : i32
    %cond3A_81 = arith.cmpi ne, %convert_element_type3A_79, %cond3A_80 : i32
    scf.if %cond3A_81 {
      %mul3A_154 = arith.constant 8000 : i32
      %mul3A_155 = arith.muli %add3A_76, %mul3A_154 : i32
      %dma_wait3A_156 = tpu.memref_slice %arg3[%mul3A_155] : memref<1000000xf32, #tpu.memory_space<hbm>> -> memref<8000xf32, #tpu.memory_space<hbm>>
      %dma_wait3A_157 = tpu.memref_slice %arg3[%mul3A_155] : memref<1000000xf32, #tpu.memory_space<hbm>> -> memref<8000xf32, #tpu.memory_space<hbm>>
      tpu.wait_dma2 semaphore(%arg17 : memref<!tpu.dma_semaphore, #tpu.memory_space<semaphore_mem>>) src(%dma_wait3A_157 : memref<8000xf32, #tpu.memory_space<hbm>>) dst(%arg9 : memref<8000xf32, #tpu.memory_space<vmem>>)
      %mul3A_158 = arith.constant 8000 : i32
      %mul3A_159 = arith.muli %add3A_76, %mul3A_158 : i32
      "tpu.region"() ({
        %run_scoped3A = tpu.sem_alloc : memref<!tpu.dma_semaphore, #tpu.memory_space<semaphore_mem>>
        %dma_start3A_160 = tpu.memref_slice %arg7[%mul3A_159] : memref<1000000xf32, #tpu.memory_space<vmem_shared>> -> memref<8000xf32, #tpu.memory_space<vmem_shared>>
        %dma_start3A_161 = tpu.memref_slice %arg7[%mul3A_159] : memref<1000000xf32, #tpu.memory_space<vmem_shared>> -> memref<8000xf32, #tpu.memory_space<vmem_shared>>
        tpu.enqueue_dma source(%arg9 : memref<8000xf32, #tpu.memory_space<vmem>>) target(%dma_start3A_161 : memref<8000xf32, #tpu.memory_space<vmem_shared>>) target_semaphore(%run_scoped3A : memref<!tpu.dma_semaphore, #tpu.memory_space<semaphore_mem>>)
        %dma_wait3A_162 = tpu.memref_slice %arg7[%mul3A_159] : memref<1000000xf32, #tpu.memory_space<vmem_shared>> -> memref<8000xf32, #tpu.memory_space<vmem_shared>>
        %dma_wait3A_163 = tpu.memref_slice %arg7[%mul3A_159] : memref<1000000xf32, #tpu.memory_space<vmem_shared>> -> memref<8000xf32, #tpu.memory_space<vmem_shared>>
        tpu.wait_dma2 semaphore(%run_scoped3A : memref<!tpu.dma_semaphore, #tpu.memory_space<semaphore_mem>>) src(%arg9 : memref<8000xf32, #tpu.memory_space<vmem>>) dst(%dma_wait3A_163 : memref<8000xf32, #tpu.memory_space<vmem_shared>>)
        tpu.yield
      }) : () -> ()
    } else {
    }
    %barrier3A = arith.constant 0 : index
    tpu.barrier barrier_id(%barrier3A)
    %dma_wait3A = arith.constant 0 : i32
    %dma_wait3A_82 = tpu.memref_slice %arg2[%dma_wait3A, %mul3A_2] : memref<26x16384xi32, #tpu.memory_space<hbm>> -> memref<26x512xi32, #tpu.memory_space<hbm>>
    %dma_wait3A_83 = arith.constant 0 : i32
    %dma_wait3A_84 = tpu.memref_slice %arg2[%dma_wait3A_83, %mul3A_2] : memref<26x16384xi32, #tpu.memory_space<hbm>> -> memref<26x512xi32, #tpu.memory_space<hbm>>
    tpu.wait_dma2 semaphore(%arg16 : memref<!tpu.dma_semaphore, #tpu.memory_space<semaphore_mem>>) src(%dma_wait3A_84 : memref<26x512xi32, #tpu.memory_space<hbm>>) dst(%arg10 : memref<26x512xi32, #tpu.memory_space<vmem>>)
    %scan3A = arith.constant 0 : i32
    %scan3A_85 = arith.constant 0 : i32
    %scan3A_86 = arith.constant 26 : i32
    %scan3A_87 = arith.addi %scan3A_85, %scan3A_86 : i32
    %scan3A_88 = arith.constant 1 : i32
    scf.for %scan3A_154 = %scan3A_85 to %scan3A_87 step %scan3A_88  : i32 {
      %dma_start3A_155 = arith.constant 0 : i32
      %dma_start3A_156 = tpu.memref_slice %arg11[%scan3A_154, %dma_start3A_155] : memref<26x512xf32, #tpu.memory_space<vmem>> -> memref<1x128xf32, #tpu.memory_space<vmem>>
      %dma_start3A_157 = tpu.memref_squeeze %dma_start3A_156 : memref<1x128xf32, #tpu.memory_space<vmem>> -> memref<128xf32, #tpu.memory_space<vmem>>
      %dma_start3A_158 = arith.constant 0 : i32
      %dma_start3A_159 = tpu.memref_slice %arg10[%scan3A_154, %dma_start3A_158] : memref<26x512xi32, #tpu.memory_space<vmem>> -> memref<1x128xi32, #tpu.memory_space<vmem>>
      %dma_start3A_160 = tpu.memref_squeeze %dma_start3A_159 : memref<1x128xi32, #tpu.memory_space<vmem>> -> memref<128xi32, #tpu.memory_space<vmem>>
      %dma_start3A_161 = arith.constant 0 : i32
      %dma_start3A_162 = tpu.memref_slice %arg7[%dma_start3A_161] : memref<1000000xf32, #tpu.memory_space<vmem_shared>> -> memref<1000000xf32, #tpu.memory_space<vmem_shared>>
      tpu.enqueue_indirect_dma source(%dma_start3A_162 : memref<1000000xf32, #tpu.memory_space<vmem_shared>>) target(%dma_start3A_157 : memref<128xf32, #tpu.memory_space<vmem>>) offsets(%dma_start3A_160 : memref<128xi32, #tpu.memory_space<vmem>>) semaphore(%arg15 : memref<!tpu.dma_semaphore, #tpu.memory_space<semaphore_mem>>)
      %dma_start3A_163 = arith.constant 128 : i32
      %dma_start3A_164 = tpu.memref_slice %arg11[%scan3A_154, %dma_start3A_163] : memref<26x512xf32, #tpu.memory_space<vmem>> -> memref<1x128xf32, #tpu.memory_space<vmem>>
      %dma_start3A_165 = tpu.memref_squeeze %dma_start3A_164 : memref<1x128xf32, #tpu.memory_space<vmem>> -> memref<128xf32, #tpu.memory_space<vmem>>
      %dma_start3A_166 = arith.constant 128 : i32
      %dma_start3A_167 = tpu.memref_slice %arg10[%scan3A_154, %dma_start3A_166] : memref<26x512xi32, #tpu.memory_space<vmem>> -> memref<1x128xi32, #tpu.memory_space<vmem>>
      %dma_start3A_168 = tpu.memref_squeeze %dma_start3A_167 : memref<1x128xi32, #tpu.memory_space<vmem>> -> memref<128xi32, #tpu.memory_space<vmem>>
      %dma_start3A_169 = arith.constant 0 : i32
      %dma_start3A_170 = tpu.memref_slice %arg7[%dma_start3A_169] : memref<1000000xf32, #tpu.memory_space<vmem_shared>> -> memref<1000000xf32, #tpu.memory_space<vmem_shared>>
      tpu.enqueue_indirect_dma source(%dma_start3A_170 : memref<1000000xf32, #tpu.memory_space<vmem_shared>>) target(%dma_start3A_165 : memref<128xf32, #tpu.memory_space<vmem>>) offsets(%dma_start3A_168 : memref<128xi32, #tpu.memory_space<vmem>>) semaphore(%arg15 : memref<!tpu.dma_semaphore, #tpu.memory_space<semaphore_mem>>)
      %dma_start3A_171 = arith.constant 256 : i32
      %dma_start3A_172 = tpu.memref_slice %arg11[%scan3A_154, %dma_start3A_171] : memref<26x512xf32, #tpu.memory_space<vmem>> -> memref<1x128xf32, #tpu.memory_space<vmem>>
      %dma_start3A_173 = tpu.memref_squeeze %dma_start3A_172 : memref<1x128xf32, #tpu.memory_space<vmem>> -> memref<128xf32, #tpu.memory_space<vmem>>
      %dma_start3A_174 = arith.constant 256 : i32
      %dma_start3A_175 = tpu.memref_slice %arg10[%scan3A_154, %dma_start3A_174] : memref<26x512xi32, #tpu.memory_space<vmem>> -> memref<1x128xi32, #tpu.memory_space<vmem>>
      %dma_start3A_176 = tpu.memref_squeeze %dma_start3A_175 : memref<1x128xi32, #tpu.memory_space<vmem>> -> memref<128xi32, #tpu.memory_space<vmem>>
      %dma_start3A_177 = arith.constant 0 : i32
      %dma_start3A_178 = tpu.memref_slice %arg7[%dma_start3A_177] : memref<1000000xf32, #tpu.memory_space<vmem_shared>> -> memref<1000000xf32, #tpu.memory_space<vmem_shared>>
      tpu.enqueue_indirect_dma source(%dma_start3A_178 : memref<1000000xf32, #tpu.memory_space<vmem_shared>>) target(%dma_start3A_173 : memref<128xf32, #tpu.memory_space<vmem>>) offsets(%dma_start3A_176 : memref<128xi32, #tpu.memory_space<vmem>>) semaphore(%arg15 : memref<!tpu.dma_semaphore, #tpu.memory_space<semaphore_mem>>)
      %dma_start3A_179 = arith.constant 384 : i32
      %dma_start3A_180 = tpu.memref_slice %arg11[%scan3A_154, %dma_start3A_179] : memref<26x512xf32, #tpu.memory_space<vmem>> -> memref<1x128xf32, #tpu.memory_space<vmem>>
      %dma_start3A_181 = tpu.memref_squeeze %dma_start3A_180 : memref<1x128xf32, #tpu.memory_space<vmem>> -> memref<128xf32, #tpu.memory_space<vmem>>
      %dma_start3A_182 = arith.constant 384 : i32
      %dma_start3A_183 = tpu.memref_slice %arg10[%scan3A_154, %dma_start3A_182] : memref<26x512xi32, #tpu.memory_space<vmem>> -> memref<1x128xi32, #tpu.memory_space<vmem>>
      %dma_start3A_184 = tpu.memref_squeeze %dma_start3A_183 : memref<1x128xi32, #tpu.memory_space<vmem>> -> memref<128xi32, #tpu.memory_space<vmem>>
      %dma_start3A_185 = arith.constant 0 : i32
      %dma_start3A_186 = tpu.memref_slice %arg7[%dma_start3A_185] : memref<1000000xf32, #tpu.memory_space<vmem_shared>> -> memref<1000000xf32, #tpu.memory_space<vmem_shared>>
      tpu.enqueue_indirect_dma source(%dma_start3A_186 : memref<1000000xf32, #tpu.memory_space<vmem_shared>>) target(%dma_start3A_181 : memref<128xf32, #tpu.memory_space<vmem>>) offsets(%dma_start3A_184 : memref<128xi32, #tpu.memory_space<vmem>>) semaphore(%arg15 : memref<!tpu.dma_semaphore, #tpu.memory_space<semaphore_mem>>)
    }
    %scan3A_89 = arith.constant 26 : i32
    %get3A = arith.constant 0 : index
    %get3A_90 = tpu.vector_load %arg14[%get3A] {strides = array<i32>} : memref<16xf32, #tpu.memory_space<vmem>>, vector<16xf32>,
    %get3A_91 = vector.shape_cast %get3A_90 : vector<16xf32> to vector<16xf32>
    %dma_wait3A_92 = arith.constant 0 : i32
    %dma_wait3A_93 = arith.constant 0 : i32
    %dma_wait3A_94 = arith.constant 0 : i32
    %dma_wait3A_95 = tpu.memref_slice %arg11[%dma_wait3A_93, %dma_wait3A_94] : memref<26x512xf32, #tpu.memory_space<vmem>> -> memref<1x128xf32, #tpu.memory_space<vmem>>
    %dma_wait3A_96 = tpu.memref_squeeze %dma_wait3A_95 : memref<1x128xf32, #tpu.memory_space<vmem>> -> memref<128xf32, #tpu.memory_space<vmem>>
    %dma_wait3A_97 = arith.constant 0 : i32
    %dma_wait3A_98 = tpu.memref_slice %arg10[%dma_wait3A_92, %dma_wait3A_97] : memref<26x512xi32, #tpu.memory_space<vmem>> -> memref<1x128xi32, #tpu.memory_space<vmem>>
    %dma_wait3A_99 = tpu.memref_squeeze %dma_wait3A_98 : memref<1x128xi32, #tpu.memory_space<vmem>> -> memref<128xi32, #tpu.memory_space<vmem>>
    %dma_wait3A_100 = arith.constant 0 : i32
    %dma_wait3A_101 = tpu.memref_slice %arg7[%dma_wait3A_100] : memref<1000000xf32, #tpu.memory_space<vmem_shared>> -> memref<1000000xf32, #tpu.memory_space<vmem_shared>>
    tpu.wait_indirect_dma semaphore(%arg15 : memref<!tpu.dma_semaphore, #tpu.memory_space<semaphore_mem>>) src(%dma_wait3A_101 : memref<1000000xf32, #tpu.memory_space<vmem_shared>>) dst(%dma_wait3A_96 : memref<128xf32, #tpu.memory_space<vmem>>)
    %dma_wait3A_102 = arith.constant 0 : i32
    %dma_wait3A_103 = arith.constant 0 : i32
    %dma_wait3A_104 = arith.constant 128 : i32
    %dma_wait3A_105 = tpu.memref_slice %arg11[%dma_wait3A_103, %dma_wait3A_104] : memref<26x512xf32, #tpu.memory_space<vmem>> -> memref<1x128xf32, #tpu.memory_space<vmem>>
    %dma_wait3A_106 = tpu.memref_squeeze %dma_wait3A_105 : memref<1x128xf32, #tpu.memory_space<vmem>> -> memref<128xf32, #tpu.memory_space<vmem>>
    %dma_wait3A_107 = arith.constant 128 : i32
    %dma_wait3A_108 = tpu.memref_slice %arg10[%dma_wait3A_102, %dma_wait3A_107] : memref<26x512xi32, #tpu.memory_space<vmem>> -> memref<1x128xi32, #tpu.memory_space<vmem>>
    %dma_wait3A_109 = tpu.memref_squeeze %dma_wait3A_108 : memref<1x128xi32, #tpu.memory_space<vmem>> -> memref<128xi32, #tpu.memory_space<vmem>>
    %dma_wait3A_110 = arith.constant 0 : i32
    %dma_wait3A_111 = tpu.memref_slice %arg7[%dma_wait3A_110] : memref<1000000xf32, #tpu.memory_space<vmem_shared>> -> memref<1000000xf32, #tpu.memory_space<vmem_shared>>
    tpu.wait_indirect_dma semaphore(%arg15 : memref<!tpu.dma_semaphore, #tpu.memory_space<semaphore_mem>>) src(%dma_wait3A_111 : memref<1000000xf32, #tpu.memory_space<vmem_shared>>) dst(%dma_wait3A_106 : memref<128xf32, #tpu.memory_space<vmem>>)
    %dma_wait3A_112 = arith.constant 0 : i32
    %dma_wait3A_113 = arith.constant 0 : i32
    %dma_wait3A_114 = arith.constant 256 : i32
    %dma_wait3A_115 = tpu.memref_slice %arg11[%dma_wait3A_113, %dma_wait3A_114] : memref<26x512xf32, #tpu.memory_space<vmem>> -> memref<1x128xf32, #tpu.memory_space<vmem>>
    %dma_wait3A_116 = tpu.memref_squeeze %dma_wait3A_115 : memref<1x128xf32, #tpu.memory_space<vmem>> -> memref<128xf32, #tpu.memory_space<vmem>>
    %dma_wait3A_117 = arith.constant 256 : i32
    %dma_wait3A_118 = tpu.memref_slice %arg10[%dma_wait3A_112, %dma_wait3A_117] : memref<26x512xi32, #tpu.memory_space<vmem>> -> memref<1x128xi32, #tpu.memory_space<vmem>>
    %dma_wait3A_119 = tpu.memref_squeeze %dma_wait3A_118 : memref<1x128xi32, #tpu.memory_space<vmem>> -> memref<128xi32, #tpu.memory_space<vmem>>
    %dma_wait3A_120 = arith.constant 0 : i32
    %dma_wait3A_121 = tpu.memref_slice %arg7[%dma_wait3A_120] : memref<1000000xf32, #tpu.memory_space<vmem_shared>> -> memref<1000000xf32, #tpu.memory_space<vmem_shared>>
    tpu.wait_indirect_dma semaphore(%arg15 : memref<!tpu.dma_semaphore, #tpu.memory_space<semaphore_mem>>) src(%dma_wait3A_121 : memref<1000000xf32, #tpu.memory_space<vmem_shared>>) dst(%dma_wait3A_116 : memref<128xf32, #tpu.memory_space<vmem>>)
    %dma_wait3A_122 = arith.constant 0 : i32
    %dma_wait3A_123 = arith.constant 0 : i32
    %dma_wait3A_124 = arith.constant 384 : i32
    %dma_wait3A_125 = tpu.memref_slice %arg11[%dma_wait3A_123, %dma_wait3A_124] : memref<26x512xf32, #tpu.memory_space<vmem>> -> memref<1x128xf32, #tpu.memory_space<vmem>>
    %dma_wait3A_126 = tpu.memref_squeeze %dma_wait3A_125 : memref<1x128xf32, #tpu.memory_space<vmem>> -> memref<128xf32, #tpu.memory_space<vmem>>
    %dma_wait3A_127 = arith.constant 384 : i32
    %dma_wait3A_128 = tpu.memref_slice %arg10[%dma_wait3A_122, %dma_wait3A_127] : memref<26x512xi32, #tpu.memory_space<vmem>> -> memref<1x128xi32, #tpu.memory_space<vmem>>
    %dma_wait3A_129 = tpu.memref_squeeze %dma_wait3A_128 : memref<1x128xi32, #tpu.memory_space<vmem>> -> memref<128xi32, #tpu.memory_space<vmem>>
    %dma_wait3A_130 = arith.constant 0 : i32
    %dma_wait3A_131 = tpu.memref_slice %arg7[%dma_wait3A_130] : memref<1000000xf32, #tpu.memory_space<vmem_shared>> -> memref<1000000xf32, #tpu.memory_space<vmem_shared>>
    tpu.wait_indirect_dma semaphore(%arg15 : memref<!tpu.dma_semaphore, #tpu.memory_space<semaphore_mem>>) src(%dma_wait3A_131 : memref<1000000xf32, #tpu.memory_space<vmem_shared>>) dst(%dma_wait3A_126 : memref<128xf32, #tpu.memory_space<vmem>>)
    %scan3A_132 = arith.constant 0 : i32
    %scan3A_133 = arith.constant 0 : i32
    %scan3A_134 = arith.constant 8 : i32
    %scan3A_135 = arith.addi %scan3A_133, %scan3A_134 : i32
    %scan3A_136 = arith.constant 1 : i32
    scf.for %scan3A_154 = %scan3A_133 to %scan3A_135 step %scan3A_136  : i32 {
      %mul3A_155 = arith.constant 4 : i32
      %mul3A_156 = arith.muli %scan3A_154, %mul3A_155 : i32
      %add3A_157 = arith.constant 0 : i32
      %add3A_158 = arith.addi %mul3A_156, %add3A_157 : i32
      %mul3A_159 = arith.constant 16 : i32
      %mul3A_160 = arith.muli %add3A_158, %mul3A_159 : i32
      %get3A_161 = arith.constant 0 : i32
      %get3A_162 = arith.index_cast %get3A_161 : i32 to index
      %get3A_163 = arith.index_cast %mul3A_160 : i32 to index
      %get3A_164 = tpu.vector_load %arg11[%get3A_162, %get3A_163] {strides = array<i32>} : memref<26x512xf32, #tpu.memory_space<vmem>>, vector<1x16xf32>,
      %get3A_165 = vector.shape_cast %get3A_164 : vector<1x16xf32> to vector<16xf32>
      %add3A_166 = arith.addf %get3A_91, %get3A_165 : vector<16xf32>
      %swap3A = arith.index_cast %mul3A_160 : i32 to index
      %swap3A_167 = tpu.vector_load %arg12[%swap3A] {strides = array<i32>} : memref<512xf32, #tpu.memory_space<vmem>>, vector<16xf32>,
      %swap3A_168 = vector.shape_cast %swap3A_167 : vector<16xf32> to vector<16xf32>
      %swap3A_169 = vector.shape_cast %add3A_166 : vector<16xf32> to vector<16xf32>
      tpu.vector_store %arg12[%swap3A], %swap3A_169 {strides = array<i32>} : memref<512xf32, #tpu.memory_space<vmem>>, vector<16xf32>,
      %mul3A_170 = arith.constant 4 : i32
      %mul3A_171 = arith.muli %scan3A_154, %mul3A_170 : i32
      %add3A_172 = arith.constant 1 : i32
      %add3A_173 = arith.addi %mul3A_171, %add3A_172 : i32
      %mul3A_174 = arith.constant 16 : i32
      %mul3A_175 = arith.muli %add3A_173, %mul3A_174 : i32
      %get3A_176 = arith.constant 0 : i32
      %get3A_177 = arith.index_cast %get3A_176 : i32 to index
      %get3A_178 = arith.index_cast %mul3A_175 : i32 to index
      %get3A_179 = tpu.vector_load %arg11[%get3A_177, %get3A_178] {strides = array<i32>} : memref<26x512xf32, #tpu.memory_space<vmem>>, vector<1x16xf32>,
      %get3A_180 = vector.shape_cast %get3A_179 : vector<1x16xf32> to vector<16xf32>
      %add3A_181 = arith.addf %get3A_91, %get3A_180 : vector<16xf32>
      %swap3A_182 = arith.index_cast %mul3A_175 : i32 to index
      %swap3A_183 = tpu.vector_load %arg12[%swap3A_182] {strides = array<i32>} : memref<512xf32, #tpu.memory_space<vmem>>, vector<16xf32>,
      %swap3A_184 = vector.shape_cast %swap3A_183 : vector<16xf32> to vector<16xf32>
      %swap3A_185 = vector.shape_cast %add3A_181 : vector<16xf32> to vector<16xf32>
      tpu.vector_store %arg12[%swap3A_182], %swap3A_185 {strides = array<i32>} : memref<512xf32, #tpu.memory_space<vmem>>, vector<16xf32>,
      %mul3A_186 = arith.constant 4 : i32
      %mul3A_187 = arith.muli %scan3A_154, %mul3A_186 : i32
      %add3A_188 = arith.constant 2 : i32
      %add3A_189 = arith.addi %mul3A_187, %add3A_188 : i32
      %mul3A_190 = arith.constant 16 : i32
      %mul3A_191 = arith.muli %add3A_189, %mul3A_190 : i32
      %get3A_192 = arith.constant 0 : i32
      %get3A_193 = arith.index_cast %get3A_192 : i32 to index
      %get3A_194 = arith.index_cast %mul3A_191 : i32 to index
      %get3A_195 = tpu.vector_load %arg11[%get3A_193, %get3A_194] {strides = array<i32>} : memref<26x512xf32, #tpu.memory_space<vmem>>, vector<1x16xf32>,
      %get3A_196 = vector.shape_cast %get3A_195 : vector<1x16xf32> to vector<16xf32>
      %add3A_197 = arith.addf %get3A_91, %get3A_196 : vector<16xf32>
      %swap3A_198 = arith.index_cast %mul3A_191 : i32 to index
      %swap3A_199 = tpu.vector_load %arg12[%swap3A_198] {strides = array<i32>} : memref<512xf32, #tpu.memory_space<vmem>>, vector<16xf32>,
      %swap3A_200 = vector.shape_cast %swap3A_199 : vector<16xf32> to vector<16xf32>
      %swap3A_201 = vector.shape_cast %add3A_197 : vector<16xf32> to vector<16xf32>
      tpu.vector_store %arg12[%swap3A_198], %swap3A_201 {strides = array<i32>} : memref<512xf32, #tpu.memory_space<vmem>>, vector<16xf32>,
      %mul3A_202 = arith.constant 4 : i32
      %mul3A_203 = arith.muli %scan3A_154, %mul3A_202 : i32
      %add3A_204 = arith.constant 3 : i32
      %add3A_205 = arith.addi %mul3A_203, %add3A_204 : i32
      %mul3A_206 = arith.constant 16 : i32
      %mul3A_207 = arith.muli %add3A_205, %mul3A_206 : i32
      %get3A_208 = arith.constant 0 : i32
      %get3A_209 = arith.index_cast %get3A_208 : i32 to index
      %get3A_210 = arith.index_cast %mul3A_207 : i32 to index
      %get3A_211 = tpu.vector_load %arg11[%get3A_209, %get3A_210] {strides = array<i32>} : memref<26x512xf32, #tpu.memory_space<vmem>>, vector<1x16xf32>,
      %get3A_212 = vector.shape_cast %get3A_211 : vector<1x16xf32> to vector<16xf32>
      %add3A_213 = arith.addf %get3A_91, %get3A_212 : vector<16xf32>
      %swap3A_214 = arith.index_cast %mul3A_207 : i32 to index
      %swap3A_215 = tpu.vector_load %arg12[%swap3A_214] {strides = array<i32>} : memref<512xf32, #tpu.memory_space<vmem>>, vector<16xf32>,
      %swap3A_216 = vector.shape_cast %swap3A_215 : vector<16xf32> to vector<16xf32>
      %swap3A_217 = vector.shape_cast %add3A_213 : vector<16xf32> to vector<16xf32>
      tpu.vector_store %arg12[%swap3A_214], %swap3A_217 {strides = array<i32>} : memref<512xf32, #tpu.memory_space<vmem>>, vector<16xf32>,
    }
    %scan3A_137 = arith.constant 8 : i32
    %scan3A_138 = arith.constant 0 : i32
    %scan3A_139 = arith.constant 1 : i32
    %scan3A_140 = arith.constant 25 : i32
    %scan3A_141 = arith.addi %scan3A_139, %scan3A_140 : i32
    %scan3A_142 = arith.constant 1 : i32
    scf.for %scan3A_154 = %scan3A_139 to %scan3A_141 step %scan3A_142  : i32 {
      %dma_wait3A_155 = arith.constant 0 : i32
      %dma_wait3A_156 = tpu.memref_slice %arg11[%scan3A_154, %dma_wait3A_155] : memref<26x512xf32, #tpu.memory_space<vmem>> -> memref<1x128xf32, #tpu.memory_space<vmem>>
      %dma_wait3A_157 = tpu.memref_squeeze %dma_wait3A_156 : memref<1x128xf32, #tpu.memory_space<vmem>> -> memref<128xf32, #tpu.memory_space<vmem>>
      %dma_wait3A_158 = arith.constant 0 : i32
      %dma_wait3A_159 = tpu.memref_slice %arg10[%scan3A_154, %dma_wait3A_158] : memref<26x512xi32, #tpu.memory_space<vmem>> -> memref<1x128xi32, #tpu.memory_space<vmem>>
      %dma_wait3A_160 = tpu.memref_squeeze %dma_wait3A_159 : memref<1x128xi32, #tpu.memory_space<vmem>> -> memref<128xi32, #tpu.memory_space<vmem>>
      %dma_wait3A_161 = arith.constant 0 : i32
      %dma_wait3A_162 = tpu.memref_slice %arg7[%dma_wait3A_161] : memref<1000000xf32, #tpu.memory_space<vmem_shared>> -> memref<1000000xf32, #tpu.memory_space<vmem_shared>>
      tpu.wait_indirect_dma semaphore(%arg15 : memref<!tpu.dma_semaphore, #tpu.memory_space<semaphore_mem>>) src(%dma_wait3A_162 : memref<1000000xf32, #tpu.memory_space<vmem_shared>>) dst(%dma_wait3A_157 : memref<128xf32, #tpu.memory_space<vmem>>)
      %dma_wait3A_163 = arith.constant 128 : i32
      %dma_wait3A_164 = tpu.memref_slice %arg11[%scan3A_154, %dma_wait3A_163] : memref<26x512xf32, #tpu.memory_space<vmem>> -> memref<1x128xf32, #tpu.memory_space<vmem>>
      %dma_wait3A_165 = tpu.memref_squeeze %dma_wait3A_164 : memref<1x128xf32, #tpu.memory_space<vmem>> -> memref<128xf32, #tpu.memory_space<vmem>>
      %dma_wait3A_166 = arith.constant 128 : i32
      %dma_wait3A_167 = tpu.memref_slice %arg10[%scan3A_154, %dma_wait3A_166] : memref<26x512xi32, #tpu.memory_space<vmem>> -> memref<1x128xi32, #tpu.memory_space<vmem>>
      %dma_wait3A_168 = tpu.memref_squeeze %dma_wait3A_167 : memref<1x128xi32, #tpu.memory_space<vmem>> -> memref<128xi32, #tpu.memory_space<vmem>>
      %dma_wait3A_169 = arith.constant 0 : i32
      %dma_wait3A_170 = tpu.memref_slice %arg7[%dma_wait3A_169] : memref<1000000xf32, #tpu.memory_space<vmem_shared>> -> memref<1000000xf32, #tpu.memory_space<vmem_shared>>
      tpu.wait_indirect_dma semaphore(%arg15 : memref<!tpu.dma_semaphore, #tpu.memory_space<semaphore_mem>>) src(%dma_wait3A_170 : memref<1000000xf32, #tpu.memory_space<vmem_shared>>) dst(%dma_wait3A_165 : memref<128xf32, #tpu.memory_space<vmem>>)
      %dma_wait3A_171 = arith.constant 256 : i32
      %dma_wait3A_172 = tpu.memref_slice %arg11[%scan3A_154, %dma_wait3A_171] : memref<26x512xf32, #tpu.memory_space<vmem>> -> memref<1x128xf32, #tpu.memory_space<vmem>>
      %dma_wait3A_173 = tpu.memref_squeeze %dma_wait3A_172 : memref<1x128xf32, #tpu.memory_space<vmem>> -> memref<128xf32, #tpu.memory_space<vmem>>
      %dma_wait3A_174 = arith.constant 256 : i32
      %dma_wait3A_175 = tpu.memref_slice %arg10[%scan3A_154, %dma_wait3A_174] : memref<26x512xi32, #tpu.memory_space<vmem>> -> memref<1x128xi32, #tpu.memory_space<vmem>>
      %dma_wait3A_176 = tpu.memref_squeeze %dma_wait3A_175 : memref<1x128xi32, #tpu.memory_space<vmem>> -> memref<128xi32, #tpu.memory_space<vmem>>
      %dma_wait3A_177 = arith.constant 0 : i32
      %dma_wait3A_178 = tpu.memref_slice %arg7[%dma_wait3A_177] : memref<1000000xf32, #tpu.memory_space<vmem_shared>> -> memref<1000000xf32, #tpu.memory_space<vmem_shared>>
      tpu.wait_indirect_dma semaphore(%arg15 : memref<!tpu.dma_semaphore, #tpu.memory_space<semaphore_mem>>) src(%dma_wait3A_178 : memref<1000000xf32, #tpu.memory_space<vmem_shared>>) dst(%dma_wait3A_173 : memref<128xf32, #tpu.memory_space<vmem>>)
      %dma_wait3A_179 = arith.constant 384 : i32
      %dma_wait3A_180 = tpu.memref_slice %arg11[%scan3A_154, %dma_wait3A_179] : memref<26x512xf32, #tpu.memory_space<vmem>> -> memref<1x128xf32, #tpu.memory_space<vmem>>
      %dma_wait3A_181 = tpu.memref_squeeze %dma_wait3A_180 : memref<1x128xf32, #tpu.memory_space<vmem>> -> memref<128xf32, #tpu.memory_space<vmem>>
      %dma_wait3A_182 = arith.constant 384 : i32
      %dma_wait3A_183 = tpu.memref_slice %arg10[%scan3A_154, %dma_wait3A_182] : memref<26x512xi32, #tpu.memory_space<vmem>> -> memref<1x128xi32, #tpu.memory_space<vmem>>
      %dma_wait3A_184 = tpu.memref_squeeze %dma_wait3A_183 : memref<1x128xi32, #tpu.memory_space<vmem>> -> memref<128xi32, #tpu.memory_space<vmem>>
      %dma_wait3A_185 = arith.constant 0 : i32
      %dma_wait3A_186 = tpu.memref_slice %arg7[%dma_wait3A_185] : memref<1000000xf32, #tpu.memory_space<vmem_shared>> -> memref<1000000xf32, #tpu.memory_space<vmem_shared>>
      tpu.wait_indirect_dma semaphore(%arg15 : memref<!tpu.dma_semaphore, #tpu.memory_space<semaphore_mem>>) src(%dma_wait3A_186 : memref<1000000xf32, #tpu.memory_space<vmem_shared>>) dst(%dma_wait3A_181 : memref<128xf32, #tpu.memory_space<vmem>>)
      %scan3A_187 = arith.constant 0 : i32
      %scan3A_188 = arith.constant 0 : i32
      %scan3A_189 = arith.constant 8 : i32
      %scan3A_190 = arith.addi %scan3A_188, %scan3A_189 : i32
      %scan3A_191 = arith.constant 1 : i32
      scf.for %scan3A_193 = %scan3A_188 to %scan3A_190 step %scan3A_191  : i32 {
        %mul3A_194 = arith.constant 4 : i32
        %mul3A_195 = arith.muli %scan3A_193, %mul3A_194 : i32
        %add3A_196 = arith.constant 0 : i32
        %add3A_197 = arith.addi %mul3A_195, %add3A_196 : i32
        %mul3A_198 = arith.constant 16 : i32
        %mul3A_199 = arith.muli %add3A_197, %mul3A_198 : i32
        %get3A_200 = arith.index_cast %mul3A_199 : i32 to index
        %get3A_201 = tpu.vector_load %arg12[%get3A_200] {strides = array<i32>} : memref<512xf32, #tpu.memory_space<vmem>>, vector<16xf32>,
        %get3A_202 = vector.shape_cast %get3A_201 : vector<16xf32> to vector<16xf32>
        %get3A_203 = arith.index_cast %scan3A_154 : i32 to index
        %get3A_204 = arith.index_cast %mul3A_199 : i32 to index
        %get3A_205 = tpu.vector_load %arg11[%get3A_203, %get3A_204] {strides = array<i32>} : memref<26x512xf32, #tpu.memory_space<vmem>>, vector<1x16xf32>,
        %get3A_206 = vector.shape_cast %get3A_205 : vector<1x16xf32> to vector<16xf32>
        %add3A_207 = arith.addf %get3A_202, %get3A_206 : vector<16xf32>
        %swap3A = arith.index_cast %mul3A_199 : i32 to index
        %swap3A_208 = tpu.vector_load %arg12[%swap3A] {strides = array<i32>} : memref<512xf32, #tpu.memory_space<vmem>>, vector<16xf32>,
        %swap3A_209 = vector.shape_cast %swap3A_208 : vector<16xf32> to vector<16xf32>
        %swap3A_210 = vector.shape_cast %add3A_207 : vector<16xf32> to vector<16xf32>
        tpu.vector_store %arg12[%swap3A], %swap3A_210 {strides = array<i32>} : memref<512xf32, #tpu.memory_space<vmem>>, vector<16xf32>,
        %mul3A_211 = arith.constant 4 : i32
        %mul3A_212 = arith.muli %scan3A_193, %mul3A_211 : i32
        %add3A_213 = arith.constant 1 : i32
        %add3A_214 = arith.addi %mul3A_212, %add3A_213 : i32
        %mul3A_215 = arith.constant 16 : i32
        %mul3A_216 = arith.muli %add3A_214, %mul3A_215 : i32
        %get3A_217 = arith.index_cast %mul3A_216 : i32 to index
        %get3A_218 = tpu.vector_load %arg12[%get3A_217] {strides = array<i32>} : memref<512xf32, #tpu.memory_space<vmem>>, vector<16xf32>,
        %get3A_219 = vector.shape_cast %get3A_218 : vector<16xf32> to vector<16xf32>
        %get3A_220 = arith.index_cast %scan3A_154 : i32 to index
        %get3A_221 = arith.index_cast %mul3A_216 : i32 to index
        %get3A_222 = tpu.vector_load %arg11[%get3A_220, %get3A_221] {strides = array<i32>} : memref<26x512xf32, #tpu.memory_space<vmem>>, vector<1x16xf32>,
        %get3A_223 = vector.shape_cast %get3A_222 : vector<1x16xf32> to vector<16xf32>
        %add3A_224 = arith.addf %get3A_219, %get3A_223 : vector<16xf32>
        %swap3A_225 = arith.index_cast %mul3A_216 : i32 to index
        %swap3A_226 = tpu.vector_load %arg12[%swap3A_225] {strides = array<i32>} : memref<512xf32, #tpu.memory_space<vmem>>, vector<16xf32>,
        %swap3A_227 = vector.shape_cast %swap3A_226 : vector<16xf32> to vector<16xf32>
        %swap3A_228 = vector.shape_cast %add3A_224 : vector<16xf32> to vector<16xf32>
        tpu.vector_store %arg12[%swap3A_225], %swap3A_228 {strides = array<i32>} : memref<512xf32, #tpu.memory_space<vmem>>, vector<16xf32>,
        %mul3A_229 = arith.constant 4 : i32
        %mul3A_230 = arith.muli %scan3A_193, %mul3A_229 : i32
        %add3A_231 = arith.constant 2 : i32
        %add3A_232 = arith.addi %mul3A_230, %add3A_231 : i32
        %mul3A_233 = arith.constant 16 : i32
        %mul3A_234 = arith.muli %add3A_232, %mul3A_233 : i32
        %get3A_235 = arith.index_cast %mul3A_234 : i32 to index
        %get3A_236 = tpu.vector_load %arg12[%get3A_235] {strides = array<i32>} : memref<512xf32, #tpu.memory_space<vmem>>, vector<16xf32>,
        %get3A_237 = vector.shape_cast %get3A_236 : vector<16xf32> to vector<16xf32>
        %get3A_238 = arith.index_cast %scan3A_154 : i32 to index
        %get3A_239 = arith.index_cast %mul3A_234 : i32 to index
        %get3A_240 = tpu.vector_load %arg11[%get3A_238, %get3A_239] {strides = array<i32>} : memref<26x512xf32, #tpu.memory_space<vmem>>, vector<1x16xf32>,
        %get3A_241 = vector.shape_cast %get3A_240 : vector<1x16xf32> to vector<16xf32>
        %add3A_242 = arith.addf %get3A_237, %get3A_241 : vector<16xf32>
        %swap3A_243 = arith.index_cast %mul3A_234 : i32 to index
        %swap3A_244 = tpu.vector_load %arg12[%swap3A_243] {strides = array<i32>} : memref<512xf32, #tpu.memory_space<vmem>>, vector<16xf32>,
        %swap3A_245 = vector.shape_cast %swap3A_244 : vector<16xf32> to vector<16xf32>
        %swap3A_246 = vector.shape_cast %add3A_242 : vector<16xf32> to vector<16xf32>
        tpu.vector_store %arg12[%swap3A_243], %swap3A_246 {strides = array<i32>} : memref<512xf32, #tpu.memory_space<vmem>>, vector<16xf32>,
        %mul3A_247 = arith.constant 4 : i32
        %mul3A_248 = arith.muli %scan3A_193, %mul3A_247 : i32
        %add3A_249 = arith.constant 3 : i32
        %add3A_250 = arith.addi %mul3A_248, %add3A_249 : i32
        %mul3A_251 = arith.constant 16 : i32
        %mul3A_252 = arith.muli %add3A_250, %mul3A_251 : i32
        %get3A_253 = arith.index_cast %mul3A_252 : i32 to index
        %get3A_254 = tpu.vector_load %arg12[%get3A_253] {strides = array<i32>} : memref<512xf32, #tpu.memory_space<vmem>>, vector<16xf32>,
        %get3A_255 = vector.shape_cast %get3A_254 : vector<16xf32> to vector<16xf32>
        %get3A_256 = arith.index_cast %scan3A_154 : i32 to index
        %get3A_257 = arith.index_cast %mul3A_252 : i32 to index
        %get3A_258 = tpu.vector_load %arg11[%get3A_256, %get3A_257] {strides = array<i32>} : memref<26x512xf32, #tpu.memory_space<vmem>>, vector<1x16xf32>,
        %get3A_259 = vector.shape_cast %get3A_258 : vector<1x16xf32> to vector<16xf32>
        %add3A_260 = arith.addf %get3A_255, %get3A_259 : vector<16xf32>
        %swap3A_261 = arith.index_cast %mul3A_252 : i32 to index
        %swap3A_262 = tpu.vector_load %arg12[%swap3A_261] {strides = array<i32>} : memref<512xf32, #tpu.memory_space<vmem>>, vector<16xf32>,
        %swap3A_263 = vector.shape_cast %swap3A_262 : vector<16xf32> to vector<16xf32>
        %swap3A_264 = vector.shape_cast %add3A_260 : vector<16xf32> to vector<16xf32>
        tpu.vector_store %arg12[%swap3A_261], %swap3A_264 {strides = array<i32>} : memref<512xf32, #tpu.memory_space<vmem>>, vector<16xf32>,
      }
      %scan3A_192 = arith.constant 8 : i32
    }
    %scan3A_143 = arith.constant 25 : i32
    %dma_start3A_144 = tpu.memref_slice %arg5[%mul3A_2] : memref<16384xf32, #tpu.memory_space<hbm>> -> memref<512xf32, #tpu.memory_space<hbm>>
    %dma_start3A_145 = tpu.memref_slice %arg5[%mul3A_2] : memref<16384xf32, #tpu.memory_space<hbm>> -> memref<512xf32, #tpu.memory_space<hbm>>
    tpu.enqueue_dma source(%arg12 : memref<512xf32, #tpu.memory_space<vmem>>) target(%dma_start3A_145 : memref<512xf32, #tpu.memory_space<hbm>>) target_semaphore(%arg16 : memref<!tpu.dma_semaphore, #tpu.memory_space<semaphore_mem>>)
    %scan3A_146 = arith.constant 0 : i32
    %scan3A_147 = arith.constant 0 : i32
    %scan3A_148 = arith.constant 8 : i32
    %scan3A_149 = arith.addi %scan3A_147, %scan3A_148 : i32
    %scan3A_150 = arith.constant 1 : i32
    scf.for %scan3A_154 = %scan3A_147 to %scan3A_149 step %scan3A_150  : i32 {
      %mul3A_155 = arith.constant 4 : i32
      %mul3A_156 = arith.muli %scan3A_154, %mul3A_155 : i32
      %add3A_157 = arith.constant 0 : i32
      %add3A_158 = arith.addi %mul3A_156, %add3A_157 : i32
      %mul3A_159 = arith.constant 16 : i32
      %mul3A_160 = arith.muli %add3A_158, %mul3A_159 : i32
      %get3A_161 = arith.index_cast %mul3A_160 : i32 to index
      %get3A_162 = tpu.vector_load %arg12[%get3A_161] {strides = array<i32>} : memref<512xf32, #tpu.memory_space<vmem>>, vector<16xf32>,
      %get3A_163 = vector.shape_cast %get3A_162 : vector<16xf32> to vector<16xf32>
      %neg3A = arith.constant 0.000000e+00 : f32
      %neg3A_164 = vector.broadcast %neg3A : f32 to vector<16xf32>
      %neg3A_165 = arith.subf %neg3A_164, %get3A_163 : vector<16xf32>
      %exp3A = math.exp %neg3A_165 : vector<16xf32>
      %add3A_166 = arith.constant 1.000000e+00 : f32
      %add3A_167 = vector.broadcast %add3A_166 : f32 to vector<16xf32>
      %add3A_168 = arith.addf %add3A_167, %exp3A : vector<16xf32>
      %div3A = arith.constant 1.000000e+00 : f32
      %div3A_169 = vector.broadcast %div3A : f32 to vector<16xf32>
      %div3A_170 = arith.divf %div3A_169, %add3A_168 : vector<16xf32>
      %swap3A = arith.index_cast %mul3A_160 : i32 to index
      %swap3A_171 = tpu.vector_load %arg13[%swap3A] {strides = array<i32>} : memref<512xf32, #tpu.memory_space<vmem>>, vector<16xf32>,
      %swap3A_172 = vector.shape_cast %swap3A_171 : vector<16xf32> to vector<16xf32>
      %swap3A_173 = vector.shape_cast %div3A_170 : vector<16xf32> to vector<16xf32>
      tpu.vector_store %arg13[%swap3A], %swap3A_173 {strides = array<i32>} : memref<512xf32, #tpu.memory_space<vmem>>, vector<16xf32>,
      %mul3A_174 = arith.constant 4 : i32
      %mul3A_175 = arith.muli %scan3A_154, %mul3A_174 : i32
      %add3A_176 = arith.constant 1 : i32
      %add3A_177 = arith.addi %mul3A_175, %add3A_176 : i32
      %mul3A_178 = arith.constant 16 : i32
      %mul3A_179 = arith.muli %add3A_177, %mul3A_178 : i32
      %get3A_180 = arith.index_cast %mul3A_179 : i32 to index
      %get3A_181 = tpu.vector_load %arg12[%get3A_180] {strides = array<i32>} : memref<512xf32, #tpu.memory_space<vmem>>, vector<16xf32>,
      %get3A_182 = vector.shape_cast %get3A_181 : vector<16xf32> to vector<16xf32>
      %neg3A_183 = arith.constant 0.000000e+00 : f32
      %neg3A_184 = vector.broadcast %neg3A_183 : f32 to vector<16xf32>
      %neg3A_185 = arith.subf %neg3A_184, %get3A_182 : vector<16xf32>
      %exp3A_186 = math.exp %neg3A_185 : vector<16xf32>
      %add3A_187 = arith.constant 1.000000e+00 : f32
      %add3A_188 = vector.broadcast %add3A_187 : f32 to vector<16xf32>
      %add3A_189 = arith.addf %add3A_188, %exp3A_186 : vector<16xf32>
      %div3A_190 = arith.constant 1.000000e+00 : f32
      %div3A_191 = vector.broadcast %div3A_190 : f32 to vector<16xf32>
      %div3A_192 = arith.divf %div3A_191, %add3A_189 : vector<16xf32>
      %swap3A_193 = arith.index_cast %mul3A_179 : i32 to index
      %swap3A_194 = tpu.vector_load %arg13[%swap3A_193] {strides = array<i32>} : memref<512xf32, #tpu.memory_space<vmem>>, vector<16xf32>,
      %swap3A_195 = vector.shape_cast %swap3A_194 : vector<16xf32> to vector<16xf32>
      %swap3A_196 = vector.shape_cast %div3A_192 : vector<16xf32> to vector<16xf32>
      tpu.vector_store %arg13[%swap3A_193], %swap3A_196 {strides = array<i32>} : memref<512xf32, #tpu.memory_space<vmem>>, vector<16xf32>,
      %mul3A_197 = arith.constant 4 : i32
      %mul3A_198 = arith.muli %scan3A_154, %mul3A_197 : i32
      %add3A_199 = arith.constant 2 : i32
      %add3A_200 = arith.addi %mul3A_198, %add3A_199 : i32
      %mul3A_201 = arith.constant 16 : i32
      %mul3A_202 = arith.muli %add3A_200, %mul3A_201 : i32
      %get3A_203 = arith.index_cast %mul3A_202 : i32 to index
      %get3A_204 = tpu.vector_load %arg12[%get3A_203] {strides = array<i32>} : memref<512xf32, #tpu.memory_space<vmem>>, vector<16xf32>,
      %get3A_205 = vector.shape_cast %get3A_204 : vector<16xf32> to vector<16xf32>
      %neg3A_206 = arith.constant 0.000000e+00 : f32
      %neg3A_207 = vector.broadcast %neg3A_206 : f32 to vector<16xf32>
      %neg3A_208 = arith.subf %neg3A_207, %get3A_205 : vector<16xf32>
      %exp3A_209 = math.exp %neg3A_208 : vector<16xf32>
      %add3A_210 = arith.constant 1.000000e+00 : f32
      %add3A_211 = vector.broadcast %add3A_210 : f32 to vector<16xf32>
      %add3A_212 = arith.addf %add3A_211, %exp3A_209 : vector<16xf32>
      %div3A_213 = arith.constant 1.000000e+00 : f32
      %div3A_214 = vector.broadcast %div3A_213 : f32 to vector<16xf32>
      %div3A_215 = arith.divf %div3A_214, %add3A_212 : vector<16xf32>
      %swap3A_216 = arith.index_cast %mul3A_202 : i32 to index
      %swap3A_217 = tpu.vector_load %arg13[%swap3A_216] {strides = array<i32>} : memref<512xf32, #tpu.memory_space<vmem>>, vector<16xf32>,
      %swap3A_218 = vector.shape_cast %swap3A_217 : vector<16xf32> to vector<16xf32>
      %swap3A_219 = vector.shape_cast %div3A_215 : vector<16xf32> to vector<16xf32>
      tpu.vector_store %arg13[%swap3A_216], %swap3A_219 {strides = array<i32>} : memref<512xf32, #tpu.memory_space<vmem>>, vector<16xf32>,
      %mul3A_220 = arith.constant 4 : i32
      %mul3A_221 = arith.muli %scan3A_154, %mul3A_220 : i32
      %add3A_222 = arith.constant 3 : i32
      %add3A_223 = arith.addi %mul3A_221, %add3A_222 : i32
      %mul3A_224 = arith.constant 16 : i32
      %mul3A_225 = arith.muli %add3A_223, %mul3A_224 : i32
      %get3A_226 = arith.index_cast %mul3A_225 : i32 to index
      %get3A_227 = tpu.vector_load %arg12[%get3A_226] {strides = array<i32>} : memref<512xf32, #tpu.memory_space<vmem>>, vector<16xf32>,
      %get3A_228 = vector.shape_cast %get3A_227 : vector<16xf32> to vector<16xf32>
      %neg3A_229 = arith.constant 0.000000e+00 : f32
      %neg3A_230 = vector.broadcast %neg3A_229 : f32 to vector<16xf32>
      %neg3A_231 = arith.subf %neg3A_230, %get3A_228 : vector<16xf32>
      %exp3A_232 = math.exp %neg3A_231 : vector<16xf32>
      %add3A_233 = arith.constant 1.000000e+00 : f32
      %add3A_234 = vector.broadcast %add3A_233 : f32 to vector<16xf32>
      %add3A_235 = arith.addf %add3A_234, %exp3A_232 : vector<16xf32>
      %div3A_236 = arith.constant 1.000000e+00 : f32
      %div3A_237 = vector.broadcast %div3A_236 : f32 to vector<16xf32>
      %div3A_238 = arith.divf %div3A_237, %add3A_235 : vector<16xf32>
      %swap3A_239 = arith.index_cast %mul3A_225 : i32 to index
      %swap3A_240 = tpu.vector_load %arg13[%swap3A_239] {strides = array<i32>} : memref<512xf32, #tpu.memory_space<vmem>>, vector<16xf32>,
      %swap3A_241 = vector.shape_cast %swap3A_240 : vector<16xf32> to vector<16xf32>
      %swap3A_242 = vector.shape_cast %div3A_238 : vector<16xf32> to vector<16xf32>
      tpu.vector_store %arg13[%swap3A_239], %swap3A_242 {strides = array<i32>} : memref<512xf32, #tpu.memory_space<vmem>>, vector<16xf32>,
    }
    %scan3A_151 = arith.constant 8 : i32
    "tpu.region"() ({
      %run_scoped3A = tpu.sem_alloc : memref<!tpu.dma_semaphore, #tpu.memory_space<semaphore_mem>>
      %dma_start3A_154 = tpu.memref_slice %arg6[%mul3A_2] : memref<16384xf32, #tpu.memory_space<hbm>> -> memref<512xf32, #tpu.memory_space<hbm>>
      %dma_start3A_155 = tpu.memref_slice %arg6[%mul3A_2] : memref<16384xf32, #tpu.memory_space<hbm>> -> memref<512xf32, #tpu.memory_space<hbm>>
      tpu.enqueue_dma source(%arg13 : memref<512xf32, #tpu.memory_space<vmem>>) target(%dma_start3A_155 : memref<512xf32, #tpu.memory_space<hbm>>) target_semaphore(%run_scoped3A : memref<!tpu.dma_semaphore, #tpu.memory_space<semaphore_mem>>)
      %dma_wait3A_156 = tpu.memref_slice %arg6[%mul3A_2] : memref<16384xf32, #tpu.memory_space<hbm>> -> memref<512xf32, #tpu.memory_space<hbm>>
      %dma_wait3A_157 = tpu.memref_slice %arg6[%mul3A_2] : memref<16384xf32, #tpu.memory_space<hbm>> -> memref<512xf32, #tpu.memory_space<hbm>>
      tpu.wait_dma2 semaphore(%run_scoped3A : memref<!tpu.dma_semaphore, #tpu.memory_space<semaphore_mem>>) src(%arg13 : memref<512xf32, #tpu.memory_space<vmem>>) dst(%dma_wait3A_157 : memref<512xf32, #tpu.memory_space<hbm>>)
      tpu.yield
    }) : () -> ()
    %dma_wait3A_152 = tpu.memref_slice %arg5[%mul3A_2] : memref<16384xf32, #tpu.memory_space<hbm>> -> memref<512xf32, #tpu.memory_space<hbm>>
    %dma_wait3A_153 = tpu.memref_slice %arg5[%mul3A_2] : memref<16384xf32, #tpu.memory_space<hbm>> -> memref<512xf32, #tpu.memory_space<hbm>>
    tpu.wait_dma2 semaphore(%arg16 : memref<!tpu.dma_semaphore, #tpu.memory_space<semaphore_mem>>) src(%arg12 : memref<512xf32, #tpu.memory_space<vmem>>) dst(%dma_wait3A_153 : memref<512xf32, #tpu.memory_space<hbm>>)
    return
  }
}

</mosaic_0001>

<sc_bundles>
// kernel: kernel.3.cloned.1.call-start
scs
__scs_entry_jumppad:
0x0: {  	(pc) =	sbr.rel $0x88, $3  }
0x1: {  	(tag) =	ssettag $0x0;
	lr =	simm.s32 $0x1  }
0x2: {  	[smem:$0x3F9E] =	sst lr;
	_ =	strace $0xD0000000  }
0x3: {  	_ = 	snop  }
0x4: {  	_ = 	snop  }
0x5: {  	_ = 	snop  }
0x6: {  	_ = 	snop  }
0x7: {  	_ = 	snop  }
__scs_overlays_trampoline_lowered:
0x8: {  	[smem:$0x3FAD] =	sst s0  }
0x9: {  	[smem:$0x3FAE] =	sst s1  }
0xa: {  	[smem:$0x3FAF] =	sst s2  }
0xb: {  	[smem:$0x3FB0] =	sst s3  }
0xc: {  	[smem:$0x3FB1] =	sst s4  }
0xd: {  	[smem:$0x3FB2] =	sst s5  }
0xe: {  	[smem:$0x3FB3] =	sst s6  }
0xf: {  	[smem:$0x3FB4] =	sst s7  }
0x10: {  	[smem:$0x3FB5] =	sst s8  }
0x11: {  	[smem:$0x3FB6] =	sst s9;
	s0 =	simm.s32 @!p0 $0x0  }
0x12: {  	s1 =	sld [smem:$0x3F9C];
	s0 =	simm.s32 @p0 $0x1  }
0x13: {  	[smem:$0x3FB7] =	sst s0;
	s0 =	simm.s32 @!p1 $0x0  }
0x14: {  	s2 =	sld [smem:$0x3F9B];
	s0 =	simm.s32 @p1 $0x1  }
0x15: {  	[smem:$0x3FB8] =	sst s0;
	s0 =	simm.s32 @!p2 $0x0  }
0x16: {  	s3 =	sld [smem:$0x3FDB];
	s0 =	simm.s32 @p2 $0x1  }
0x17: {  	s4 =	simm.s32 $0x1BF5;
	[smem:$0x3FBA] =	sst s0  }
0x18: {  	s0 =	sld [smem:$0x3F9D];
	_ =	swait.ge [sflag:s4], $0x0  }
0x19: {  	s7 =	sld [smem:$0x3F9E]  }
0x1a: {  	s8 =	sadd.s32 $0xFFFFE003, lr  }
0x1b: {  	s9 =	sadd.s32 $0xFFFFFEF7, lr;
	s5 =	simm.s32 $0xFFFFFFFF;
	p2 =	slt.u32 s8, $0xFFFFF086  }
0x1c: {  	p1 =	slt.u32 s9, $0xF7A;
	s5 =	simm.s32 @!p2 $0x0  }
0x1d: {  	s5 =	simm.s32 @p1 $0x1;
	p0 =	seq.s32 s7, s2  }
0x1e: {  	s7 =	smul.u32 @!p0 $0xF7A, s2;
	p2 =	seq.s32 @!p0 s5, $0x0  }
0x1f: {  	s9 =	smul.u32 $0xF7A, s1;
	s8 =	simm.s32 @!p0 $0x1BF5;
	p2 =	por !p2, p0  }
0x20: {  	[sflag:s8] =	ssyncset.s32 @!p0 $0xFFFFF086;
	s6 =	sadd.s32 @!p0 s3, s7;
	s7 =	simm.s32 @!p0 $0x108  }
0x21: {  	s3 =	sadd.s32 s3, s9;
	s6 =	sadd.s32 @!p0 $0x88, s6;
	s7 =	simm.s32 @p2 $0x1082  }
0x22: {  	[simem:s7], [sflag:s8] =	dma.local @!p0 [hbm:s6], $0xF7A  }
0x23: {  	s9 =	sor.u32 $0xD0000000, s2;
	s6 =	simm.s32 $0x108;
	_ =	swait.ge @!p0 [sflag:s8], $0x0  }
0x24: {  	s3 =	sadd.s32 $0x88, s3;
	s6 =	simm.s32 @!p1 $0x1082;
	[sflag:s4] =	ssyncset.s32 $0xFFFFF086  }
0x25: {  	[simem:s6], [sflag:s4] =	dma.local [hbm:s3], $0xF7A  }
0x26: {  	[smem:$0x3F9E] =	sst s1;
	(tag) =	ssettag s2;
	_ =	strace s9  }
0x27: {  	s1 =	sld [smem:$0x3FAE]  }
0x28: {  	s2 =	sld [smem:$0x3FAF]  }
0x29: {  	s4 =	sld [smem:$0x3FB1]  }
0x2a: {  	p0 =	seq.s32 s5, $0x0;
	s5 =	sld [smem:$0x3FB2]  }
0x2b: {  	s6 =	sld [smem:$0x3FB3]  }
0x2c: {  	s7 =	sld [smem:$0x3FB4]  }
0x2d: {  	s3 =	simm.s32 $0x108;
	s8 =	sld [smem:$0x3FB5]  }
0x2e: {  	s3 =	simm.s32 @!p0 $0x1082;
	s9 =	sld [smem:$0x3FB6]  }
0x2f: {  	lr =	sadd.s32 s0, s3;
	s0 =	sld [smem:$0x3FAD]  }
0x30: {  	s3 =	sld [smem:$0x3FB0]  }
0x31: {  	[smem:$0x3FB9] =	sst s10  }
0x32: {  	s10 =	sld [smem:$0x3FB7];
	_ =	sdelay $0x3  }
0x33: {  	p0 =	seq.s32 s10, $0x1;
	s10 =	sld [smem:$0x3FB9];
	_ =	sdelay $0x3  }
0x34: {  	[smem:$0x3FB9] =	sst s10  }
0x35: {  	s10 =	sld [smem:$0x3FB8];
	_ =	sdelay $0x3  }
0x36: {  	p1 =	seq.s32 s10, $0x1;
	s10 =	sld [smem:$0x3FB9];
	_ =	sdelay $0x3  }
0x37: {  	[smem:$0x3FB9] =	sst s10  }
0x38: {  	s10 =	sld [smem:$0x3FBA]  }
0x39: {  	_ = 	snop;
	(pc) =	sbr.ind lr, $3  }
0x3a: {  	_ = 	snop  }
0x3b: {  	_ = 	snop  }
0x3c: {  	p2 =	seq.s32 s10, $0x1;
	s10 =	sld [smem:$0x3FB9]  }
0x3d: {  	_ =	shalt  }
0x3e: {  	_ =	shalt  }
0x3f: {  	_ =	shalt  }
0x40: {  	_ =	shalt  }
0x41: {  	_ =	shalt  }
0x42: {  	_ =	shalt  }
0x43: {  	_ =	shalt  }
0x44: {  	_ =	shalt  }
0x45: {  	_ =	shalt  }
0x46: {  	_ =	shalt  }
0x47: {  	_ =	shalt  }
0x48: {  	_ =	shalt  }
0x49: {  	_ =	shalt  }
0x4a: {  	_ =	shalt  }
0x4b: {  	_ =	shalt  }
0x4c: {  	_ =	shalt  }
0x4d: {  	_ =	shalt  }
0x4e: {  	_ =	shalt  }
0x4f: {  	_ =	shalt  }
0x50: {  	_ =	shalt  }
0x51: {  	_ =	shalt  }
0x52: {  	_ =	shalt  }
0x53: {  	_ =	shalt  }
0x54: {  	_ =	shalt  }
0x55: {  	_ =	shalt  }
0x56: {  	_ =	shalt  }
0x57: {  	_ =	shalt  }
0x58: {  	_ =	shalt  }
0x59: {  	_ =	shalt  }
0x5a: {  	_ =	shalt  }
0x5b: {  	_ =	shalt  }
0x5c: {  	_ =	shalt  }
0x5d: {  	_ =	shalt  }
0x5e: {  	_ =	shalt  }
0x5f: {  	_ =	shalt  }
0x60: {  	_ =	shalt  }
0x61: {  	_ =	shalt  }
0x62: {  	_ =	shalt  }
0x63: {  	_ =	shalt  }
0x64: {  	_ =	shalt  }
0x65: {  	_ =	shalt  }
0x66: {  	_ =	shalt  }
0x67: {  	_ =	shalt  }
0x68: {  	_ =	shalt  }
0x69: {  	_ =	shalt  }
0x6a: {  	_ =	shalt  }
0x6b: {  	_ =	shalt  }
0x6c: {  	_ =	shalt  }
0x6d: {  	_ =	shalt  }
0x6e: {  	_ =	shalt  }
0x6f: {  	_ =	shalt  }
0x70: {  	_ =	shalt  }
0x71: {  	_ =	shalt  }
0x72: {  	_ =	shalt  }
0x73: {  	_ =	shalt  }
0x74: {  	_ =	shalt  }
0x75: {  	_ =	shalt  }
0x76: {  	_ =	shalt  }
0x77: {  	_ =	shalt  }
0x78: {  	_ =	shalt  }
0x79: {  	_ =	shalt  }
0x7a: {  	_ =	shalt  }
0x7b: {  	_ =	shalt  }
0x7c: {  	_ =	shalt  }
0x7d: {  	_ =	shalt  }
0x7e: {  	_ =	shalt  }
0x7f: {  	_ =	shalt  }
0x80: {  	_ =	shalt  }
0x81: {  	_ =	shalt  }
0x82: {  	_ =	shalt  }
0x83: {  	_ =	shalt  }
0x84: {  	_ =	shalt  }
0x85: {  	_ =	shalt  }
0x86: {  	_ =	shalt  }
0x87: {  	_ =	shalt  }
.Lfunc_end0:
.L_simem_size_0:
called_computation_lowered:
.L_overlay_start_0:
0x88: {  	s2 =	sld [smem:$0x3FD9]  }
0x89: {  	s3 =	sld [smem:$0x3FFE];
	_ =	sdelay $0x1  }
0x8a: {  	s1 =	srdreg.scid  }
0x8b: {  	s0 =	sand.u32 $0x1, s1  }
0x8c: {  	s14 =	sshll.u32 s0, $0xA;
	s2 =	sadd.s32 s3, s2  }
0x8d: {  	s2 =	sadd.s32 s2, s14  }
0x8e: {  	[smem:$0x3FC5] =	sst s2  }
0x8f: {  	_ = 	snop  }
0x90: {  	s2 =	sld [smem:$0x3FD0];
	_ =	sdelay $0x2  }
0x91: {  	s4 =	simm.s32 $0xA;
	s5 =	simm.s32 $0x10;
	s15 =	sld [smem:$0x3FC9]  }
0x92: {  	[smem:s5], [sflag:s4] =	dma.local [hbm:s2], $0x1  }
0x93: {  	_ =	swait.eq [sflag:s4], $0x1  }
0x94: {  	[sflag:s4] =	ssyncset.done $0x0  }
0x95: {  	s16 =	sld [smem:$0x10];
	[sflag:s4] =	ssyncadd.s32 $0xFFFFFFFF  }
0x96: {  	s17 =	sld [smem:$0x11];
	(tm) =	ssettm $0x1  }
0x97: {  	s18 =	sld [smem:$0x3FFB];
	_ =	sdelay $0x3  }
0x98: {  	_ =	strace s18  }
0x99: {  	s5 =	sld [smem:$0x3FFC];
	_ =	sdelay $0x3  }
0x9a: {  	_ =	strace s5  }
0x9b: {  	s5 =	sld [smem:$0x3FFD];
	_ =	sdelay $0x3  }
0x9c: {  	_ =	strace s5  }
0x9d: {  	_ =	strace $0x8FFFFFFF  }
0x9e: {  	s19 =	sld [smem:$0x3FDB];
	_ =	sdelay $0x1  }
0x9f: {  	s6 =	simm.s32 $_scs_section_size  }
0xa0: {  	s7 =	simm.s32 $_size__tile_overlayer_lowered;
	s8 =	simm.s32 $_tile_overlayer_lowered  }
0xa1: {  	s22 =	simm.s32 $0x1BFF;
	s21 =	sshll.u32 s8, $0x1;
	s5 =	sadd.s32 s6, s19  }
0xa2: {  	s9 =	simm.s32 $0x0;
	s20 =	sshll.u32 s7, $0x1;
	s7 =	sadd.s32 s21, s5  }
0xa3: {  	[timem:s9], [sflag:s22] =	dma.local [hbm:s7], s20  }
0xa4: {  	_ =	swait.ge [sflag:s22], s20  }
0xa5: {  	s6 =	ssub.s32 $0x0, s20;
	[sflag:s22] =	ssyncset.done $0x0  }
0xa6: {  	[sflag:s22] =	ssyncadd.s32 s6;
	_ =	sdelay $0x1  }
0xa7: {  	s23 =	simm.s32 $0x1B8B  }
0xa8: {  	_ =	swait.ge [sflag:s23], $0x1  }
0xa9: {  	[sflag:s23] =	ssyncset.done $0x0  }
0xaa: {  	s25 =	simm.s32 $0x1B8E;
	s24 =	sld [smem:$0x3FFE];
	[sflag:s23] =	ssyncadd.s32 $0xFFFFFFFF  }
0xab: {  	s26 =	simm.s32 $execute0_lowered;
	[smem:$0x3FD2] =	sst s25  }
0xac: {  	s7 =	sshll.u32 s26, $0x1;
	_ =	strace $0x80000046;
	[dreg:$0x1] =	wrdreg $0xFFFFFFFF  }
0xad: {  	s28 =	simm.s32 $_size_execute0_lowered;
	s5 =	sadd.s32 s5, s7;
	[dreg:$0x0] =	wrdreg $0x0  }
0xae: {  	s7 =	sshll.u32 s28, $0x1;
	[dreg:$0x2] =	wrdreg s5  }
0xaf: {  	[dreg:$0x3] =	wrdreg s7  }
0xb0: {  	[dreg:$0x4] =	wrdreg $0xC0  }
0xb1: {  	_ =	task [dreg:s9], $0x5FFFF  }
0xb2: {  	[dreg:$0x1] =	wrdreg $0xFFFFFFFF  }
0xb3: {  	[dreg:$0x0] =	wrdreg $0x60  }
0xb4: {  	[dreg:$0x2] =	wrdreg s15  }
0xb5: {  	[dreg:$0x3] =	wrdreg s24  }
0xb6: {  	[dreg:$0x4] =	wrdreg s16  }
0xb7: {  	[dreg:$0x5] =	wrdreg s17  }
0xb8: {  	[dreg:$0x6] =	wrdreg $0x0  }
0xb9: {  	[dreg:$0x7] =	wrdreg $0x9  }
0xba: {  	_ =	task.clear_ibuf [dreg:s9], $0x8FFFF;
	_ =	strace $0x90000046  }
0xbb: {  	s29 =	simm.s32 $0x9;
	_ =	strace $0x80000048  }
0xbc: {  	_ =	swait.ge [sflag:s29], $0x1  }
0xbd: {  	[sflag:s29] =	ssyncadd.s32 $0xFFFFFFFF  }
0xbe: {  	_ =	strace $0x90000048  }
0xbf: {  	_ =	sfence  }
0xc0: {  	s30 =	sld [smem:$0x0];
	_ =	sdelay $0x2  }
0xc1: {  	s31 =	sshll.u32 s1, $0xD;
	s1 =	sshrl.u32 s1, $0x2  }
0xc2: {  	s3 =	sand.u32 $0x4000, s31;
	s1 =	sadd.s32 s1, s30  }
0xc3: {  	s0 =	sor.u32 s3, s0;
	s1 =	sshll.u32 s1, $0x11  }
0xc4: {  	s0 =	sor.u32 s1, s0  }
0xc5: {  	s0 =	sadd.s32 $0x8F2B, s0  }
0xc6: {  	[sflag:s0] =	ssyncadd.remote.s32 $0x1  }
0xc7: {  	_ =	sfence.sel $0xFFFF  }
0xc8: {  	[dreg:$0x0] =	wrdreg $0xFFFFFFFF;
	(pc) =	sbr.abs _section_cstart, $3  }
0xc9: {  	[dreg:$0x1] =	wrdreg $0xFFFFFFFF  }
0xca: {  	_ =	task.clear_ibuf [dreg:s9], $0x2FFFF;
	_ =	strace $0x9FFFFFFF  }
0xcb: {  	(tm) =	ssettm $0x7FFFFFFF  }
tec
execute0_lowered:
.L_overlay_start_1:
0x0: {  	(tag) =	ssettag $0x1  }
0x1: {  	s0 =	rddreg [dreg:$0x0]  }
0x2: {  	s3 =	rddreg [dreg:$0x1]  }
0x3: {  	s4 =	rddreg [dreg:$0x2]  }
0x4: {  	s6 =	rddreg [dreg:$0x3]  }
0x5: {  	s1 =	rddreg [dreg:$0x4]  }
0x6: {  	s2 =	simm.s32 $0x0;
	s5 =	srdreg.scid;
	s11 =	stileid.u32  }
0x7: {  	s30 =	simm.s32 $0x4;
	s31 =	simm.s32 $0xF428;
	s28 =	simm.s32 $0x1  }
0x8: {  	s29 =	simm.s32 $0x0;
	[smem:$0x7FF] =	sst s2;
	s7 =	sadd.s32 $0x400, s3  }
0x9: {  	s5 =	sand.u32 $0x1, s5;
	s3 =	sadd.s32 $0x1EE00, s3;
	s8 =	smul.u32 $0xFA00, s11  }
0xa: {  	s10 =	sshll.u32 s11, $0xA;
	s18 =	sshll.u32 s11, $0x3;
	s25 =	smul.u32 $0x3E800, s11  }
0xb: {  	p1 =	seq.s32 s11, $0xF;
	_ =	strace $0x80000047;
	[dreg:$0x6] =	wrdreg s3  }
0xc: {  	s23 =	ssub.s32 $0x2, s5;
	s5 =	sshll.u32 s5, $0x9;
	s20 =	sor.u32 $0x6, s18  }
0xd: {  	s9 =	sshrl.u32 s23, $0x1;
	s17 =	sor.u32 s5, s10;
	s24 =	sshrl.u32 s8, $0x3  }
0xe: {  	s10 =	sor.u32 $0x4, s18;
	s8 =	sadd.s32 s8, s1;
	s12 =	sshrl.u32 s25, $0x2  }
0xf: {  	s21 =	smul.u32 $0x7D00, s20;
	s25 =	sshllo.u32 s11, $0x3;
	p0 =	sgt.u32 s20, $0x7C  }
0x10: {  	s3 =	ssub.s32 s23, s9;
	s5 =	sadd.s32 s7, s24;
	s0 =	sadd.s32 s0, s17  }
0x11: {  	[dreg:$0x9] =	wrdreg s8;
	s13 =	smul.u32 $0x3E8, s10;
	s8 =	sadd.s32 s12, s1  }
0x12: {  	s22 =	sshrl.u32 s17, $0x3;
	s23 =	smul.u32 $0x7D00, s25;
	p2 =	sgt.u32 s25, $0x7C  }
0x13: {  	s25 =	simm.s32 $0x2;
	[dreg:$0x7] =	wrdreg s0;
	s26 =	sadd.s32 $0x3E8, s5  }
0x14: {  	s14 =	sadd.s32 $0x7D0, s5;
	s15 =	sadd.s32 $0x1F40, s8;
	[dreg:$0x8] =	wrdreg s26  }
0x15: {  	s16 =	sadd.s32 $0xBB8, s5;
	s0 =	smul.u32 $0x7D00, s10;
	[dreg:$0xa] =	wrdreg s14  }
0x16: {  	s19 =	sadd.s32 $0x3E80, s8;
	s17 =	sadd.s32 s4, s22;
	[dreg:$0xb] =	wrdreg s15  }
0x17: {  	s18 =	sadd.s32 s6, s22;
	s20 =	sadd.s32 $0x9C40, s8;
	[dreg:$0xc] =	wrdreg s16  }
0x18: {  	s24 =	sshrl.u32 s21, $0x2;
	s14 =	smul.u32 $0x1F40, s11;
	[dreg:$0xd] =	wrdreg s19  }
0x19: {  	s13 =	sadd.s32 s7, s13;
	s22 =	sadd.s32 s24, s1;
	s26 =	sshrl.u32 s23, $0x2  }
0x1a: {  	s24 =	smax.u32 s3, $0x1;
	s3 =	simm.s32 $0x113A8;
	s0 =	sshrl.u32 s0, $0x2  }
0x1b: {  	s23 =	sadd.s32 s26, s1;
	s26 =	simm.s32 $0x80;
	s7 =	sadd.s32 s14, s7  }
0x1c: {  	s14 =	sadd.s32 $0x5DC0, s8;
	s16 =	sadd.s32 s0, s1;
	s0 =	simm.s32 $0x3  }
0x1d: {  	s15 =	sadd.s32 $0x1388, s7;
	s19 =	sadd.s32 $0x1770, s7;
	s21 =	sadd.s32 $0x1B58, s7  }
.LBB2_1:
0x1e: {  	s4 =	rddreg [dreg:$0x7]  }
0x1f: {  	s6 =	simm.s32 $0x1000;
	s7 =	simm.s32 $0x20000;
	s8 =	simm.s32 $0x13328  }
0x20: {  	[tilespmem:s8], [sflag:$0x2] =	stream.strided.gather [hbm4b:s4+s6], $0x4000, s7, s6, $0x38;
	[tilespmem:$0x1B7A8] =	vst v63  }
0x21: {  	s11 =	rddreg [dreg:$0x6];
	s12 =	simm.s32 $0x1B728  }
0x22: {  	[tilespmem:s12], [sflag:$0x4] =	stream.linear.gather [hbm4b:s11+s2], $0x80, $0x38;
	[tilespmem:$0x1B7A8] =	vst v63  }
0x23: {  	_ =	swait.ge [sflag:s30], $0x80  }
0x24: {  	[sflag:s30] =	ssyncset.done $0x0  }
0x25: {  	[sflag:s30] =	ssyncadd.s32 $0xFFFFFF80  }
0x26: {  	[tilespmem:s31], [sflag:$0x3] =	stream.linear.gather [hbm4b:s5+s2], $0x1F40, $0x38;
	[tilespmem:$0x1B7A8] =	vst v63  }
0x27: {  	_ =	swait.ge [sflag:s0], $0x1F40  }
0x28: {  	[sflag:s0] =	ssyncset.done $0x0  }
0x29: {  	s6 =	rddreg [dreg:$0x8];
	[sflag:s0] =	ssyncadd.s32 $0xFFFFE0C0  }
0x2a: {  	[tilespmem:s3], [sflag:$0x3] =	stream.linear.gather [hbm4b:s6+s2], $0x1F40, $0x38;
	[tilespmem:$0x1B7A8] =	vst v63  }
0x2b: {  	s7 =	rddreg [dreg:$0x9]  }
0x2c: {  	[spmem:s7] =	stream.linear.scatter [tilespmem:s31], [sflag:$0x4], $0x1F40, $0x38;
	[tilespmem:$0x1B7A8] =	vst v63  }
0x2d: {  	_ =	swait.ge [sflag:s30], $0x1F40  }
0x2e: {  	[sflag:s30] =	ssyncset.done $0x0  }
0x2f: {  	[sflag:s30] =	ssyncadd.s32 $0xFFFFE0C0  }
0x30: {  	_ =	swait.ge [sflag:s0], $0x1F40  }
0x31: {  	[sflag:s0] =	ssyncset.done $0x0  }
0x32: {  	s8 =	rddreg [dreg:$0xa];
	[sflag:s0] =	ssyncadd.s32 $0xFFFFE0C0  }
0x33: {  	[tilespmem:s31], [sflag:$0x3] =	stream.linear.gather [hbm4b:s8+s2], $0x1F40, $0x38;
	[tilespmem:$0x1B7A8] =	vst v63  }
0x34: {  	s9 =	rddreg [dreg:$0xb]  }
0x35: {  	[spmem:s9] =	stream.linear.scatter [tilespmem:s3], [sflag:$0x4], $0x1F40, $0x38;
	[tilespmem:$0x1B7A8] =	vst v63  }
0x36: {  	_ =	swait.ge [sflag:s30], $0x1F40  }
0x37: {  	[sflag:s30] =	ssyncset.done $0x0  }
0x38: {  	[sflag:s30] =	ssyncadd.s32 $0xFFFFE0C0  }
0x39: {  	_ =	swait.ge [sflag:s0], $0x1F40  }
0x3a: {  	[sflag:s0] =	ssyncset.done $0x0  }
0x3b: {  	s10 =	rddreg [dreg:$0xc];
	[sflag:s0] =	ssyncadd.s32 $0xFFFFE0C0  }
0x3c: {  	[tilespmem:s3], [sflag:$0x3] =	stream.linear.gather [hbm4b:s10+s2], $0x1F40, $0x38;
	[tilespmem:$0x1B7A8] =	vst v63  }
0x3d: {  	s11 =	rddreg [dreg:$0xd]  }
0x3e: {  	[spmem:s11] =	stream.linear.scatter [tilespmem:s31], [sflag:$0x4], $0x1F40, $0x38;
	[tilespmem:$0x1B7A8] =	vst v63  }
0x3f: {  	_ =	swait.ge [sflag:s30], $0x1F40  }
0x40: {  	[sflag:s30] =	ssyncset.done $0x0  }
0x41: {  	[sflag:s30] =	ssyncadd.s32 $0xFFFFE0C0  }
0x42: {  	_ =	swait.ge [sflag:s0], $0x1F40  }
0x43: {  	[sflag:s0] =	ssyncset.done $0x0  }
0x44: {  	[sflag:s0] =	ssyncadd.s32 $0xFFFFE0C0  }
0x45: {  	[tilespmem:s31], [sflag:$0x3] =	stream.linear.gather [hbm4b:s13+s2], $0x1F40, $0x38;
	[tilespmem:$0x1B7A8] =	vst v63  }
0x46: {  	_ = 	snop  }
0x47: {  	[spmem:s14] =	stream.linear.scatter [tilespmem:s3], [sflag:$0x4], $0x1F40, $0x38;
	[tilespmem:$0x1B7A8] =	vst v63  }
0x48: {  	_ =	swait.ge [sflag:s30], $0x1F40  }
0x49: {  	[sflag:s30] =	ssyncset.done $0x0  }
0x4a: {  	[sflag:s30] =	ssyncadd.s32 $0xFFFFE0C0  }
0x4b: {  	_ =	swait.ge [sflag:s0], $0x1F40  }
0x4c: {  	[sflag:s0] =	ssyncset.done $0x0  }
0x4d: {  	s4 =	simm.s32 @p1 $0xF428;
	[sflag:s0] =	ssyncadd.s32 $0xFFFFE0C0  }
0x4e: {  	[spmem:s16] =	stream.linear.scatter @p1 [tilespmem:s4], [sflag:$0x4], $0x1F40, $0x38;
	[tilespmem:$0x1B7A8] =	vst v63  }
0x4f: {  	s6 =	simm.s32 @!p1 $0x113A8;
	s4 =	simm.s32 @!p1 $0x0  }
0x50: {  	[tilespmem:s6], [sflag:$0x3] =	stream.linear.gather @!p1 [hbm4b:s15+s4], $0x1F40, $0x38;
	[tilespmem:$0x1B7A8] =	vst v63  }
0x51: {  	s7 =	simm.s32 @!p1 $0xF428;
	s8 =	simm.s32 @!p1 $0x4  }
0x52: {  	[spmem:s16] =	stream.linear.scatter @!p1 [tilespmem:s7], [sflag:$0x4], $0x1F40, $0x38;
	[tilespmem:$0x1B7A8] =	vst v63  }
0x53: {  	_ =	swait.ge @!p1 [sflag:s8], $0x1F40  }
0x54: {  	[sflag:s8] =	ssyncset.done @!p1 $0x0  }
0x55: {  	[sflag:s8] =	ssyncadd.s32 @!p1 $0xFFFFE0C0;
	s8 =	simm.s32 @!p1 $0x3  }
0x56: {  	_ =	swait.ge @!p1 [sflag:s8], $0x1F40  }
0x57: {  	[sflag:s8] =	ssyncset.done @!p1 $0x0  }
0x58: {  	[sflag:s8] =	ssyncadd.s32 @!p1 $0xFFFFE0C0  }
0x59: {  	[tilespmem:s7], [sflag:$0x3] =	stream.linear.gather @!p1 [hbm4b:s19+s4], $0x1F40, $0x38;
	[tilespmem:$0x1B7A8] =	vst v63  }
0x5a: {  	_ = 	snop  }
0x5b: {  	[spmem:s20] =	stream.linear.scatter @!p1 [tilespmem:s6], [sflag:$0x4], $0x1F40, $0x38;
	[tilespmem:$0x1B7A8] =	vst v63  }
0x5c: {  	_ =	swait.ge [sflag:s30], $0x1F40  }
0x5d: {  	[sflag:s30] =	ssyncset.done $0x0  }
0x5e: {  	s4 =	simm.s32 @!p0 $0x3;
	[sflag:s30] =	ssyncadd.s32 $0xFFFFE0C0  }
0x5f: {  	_ =	swait.ge @!p0 [sflag:s4], $0x1F40  }
0x60: {  	[sflag:s4] =	ssyncset.done @!p0 $0x0  }
0x61: {  	s6 =	simm.s32 @!p0 $0x113A8;
	[sflag:s4] =	ssyncadd.s32 @!p0 $0xFFFFE0C0;
	s4 =	simm.s32 @!p0 $0x0  }
0x62: {  	[tilespmem:s6], [sflag:$0x3] =	stream.linear.gather @!p0 [hbm4b:s21+s4], $0x1F40, $0x38;
	[tilespmem:$0x1B7A8] =	vst v63  }
0x63: {  	s4 =	simm.s32 @!p0 $0xF428  }
0x64: {  	[spmem:s22] =	stream.linear.scatter @!p0 [tilespmem:s4], [sflag:$0x4], $0x1F40, $0x38;
	[tilespmem:$0x1B7A8] =	vst v63  }
0x65: {  	s4 =	simm.s32 @!p0 $0x4  }
0x66: {  	_ =	swait.ge @!p0 [sflag:s4], $0x1F40  }
0x67: {  	[sflag:s4] =	ssyncset.done @!p0 $0x0  }
0x68: {  	[sflag:s4] =	ssyncadd.s32 @!p0 $0xFFFFE0C0;
	s4 =	simm.s32 @!p2 $0x3  }
0x69: {  	_ =	swait.ge @!p2 [sflag:s4], $0x1F40  }
0x6a: {  	[sflag:s4] =	ssyncset.done @!p2 $0x0  }
0x6b: {  	[sflag:s4] =	ssyncadd.s32 @!p2 $0xFFFFE0C0;
	s4 =	simm.s32 @!p2 $0x113A8  }
0x6c: {  	[spmem:s23] =	stream.linear.scatter @!p2 [tilespmem:s4], [sflag:$0x4], $0x1F40, $0x38;
	[tilespmem:$0x1B7A8] =	vst v63  }
0x6d: {  	s4 =	simm.s32 @!p2 $0x4  }
0x6e: {  	_ =	swait.ge @!p2 [sflag:s4], $0x1F40  }
0x6f: {  	[sflag:s4] =	ssyncset.done @!p2 $0x0  }
0x70: {  	[sflag:s4] =	ssyncadd.s32 @!p2 $0xFFFFE0C0  }
0x71: {  	[bflag:$0x0] =	sbarrier.arrive $0xFFFF  }
0x72: {  	s12 =	sand.u32 $0x380, s2;
	s8 =	sand.u32 $0x3000, s2;
	_ =	swait.ge [sflag:s25], $0x4000  }
0x73: {  	s7 =	sor.u32 s12, s8;
	[sflag:s25] =	ssyncset.done $0x0  }
0x74: {  	s6 =	simm.s32 $0x200;
	s4 =	simm.s32 $0x0;
	[sflag:s25] =	ssyncadd.s32 $0xFFFFC000  }
.LBB2_2:
0x75: {  	p3 =	sne.s32 s6, $0x3200  }
0x76: {  	s9 =	sadd.s32 $0x17328, s7;
	s10 =	sadd.s32 $0x13328, s7;
	s11 =	sadd.s32 $0x17728, s7  }
0x77: {  	[tilespmem:s9], [sflag:$0x1] =	stream.indirect.gather [spmem:s1], $0x1, s10, s26, $0xb8;
	[tilespmem:$0x1B7A8] =	vst v63  }
0x78: {  	s9 =	sand.u32 $0x3000, s6;
	s10 =	smov.u32 s4;
	s4 =	sadd.s32 $0x80, s4  }
0x79: {  	s12 =	sadd.s32 $0x13728, s7;
	s8 =	sor.u32 s8, s10;
	s10 =	sadd.s32 $0x17B28, s7  }
0x7a: {  	[tilespmem:s11], [sflag:$0x1] =	stream.indirect.gather [spmem:s1], $0x1, s12, s26, $0xb8;
	[tilespmem:$0x1B7A8] =	vst v63  }
.Ltmp0:
0x7b: {  	s7 =	sadd.s32 $0x13B28, s7;
	s8 =	sor.u32 $0xC00, s8;
	(pc) =	sbr.rel @p3 .LBB2_2-.Ltmp0, $4  }
0x7c: {  	[tilespmem:s10], [sflag:$0x1] =	stream.indirect.gather [spmem:s1], $0x1, s7, s26, $0xb8;
	[tilespmem:$0x1B7A8] =	vst v63  }
0x7d: {  	s7 =	sand.u32 $0x380, s4;
	s10 =	sadd.s32 $0x17328, s8;
	s8 =	sadd.s32 $0x13328, s8  }
0x7e: {  	[tilespmem:s10], [sflag:$0x1] =	stream.indirect.gather [spmem:s1], $0x1, s8, s26, $0xb8;
	[tilespmem:$0x1B7A8] =	vst v63  }
0x7f: {  	s6 =	sadd.s32 $0x200, s6;
	s7 =	sor.u32 s7, s9;
	s8 =	smov.u32 s9  }
0x80: {  	s6 =	sadd.s32 $0x17328, s7;
	s9 =	sadd.s32 $0x13328, s7  }
0x81: {  	[tilespmem:s6], [sflag:$0x1] =	stream.indirect.gather [spmem:s1], $0x1, s9, s26, $0xb8;
	[tilespmem:$0x1B7A8] =	vst v63  }
0x82: {  	s10 =	sadd.s32 $0x13728, s7;
	s4 =	sor.u32 s8, s4;
	s9 =	sadd.s32 $0x17728, s7  }
0x83: {  	[tilespmem:s9], [sflag:$0x1] =	stream.indirect.gather [spmem:s1], $0x1, s10, s26, $0xb8;
	[tilespmem:$0x1B7A8] =	vst v63  }
0x84: {  	s11 =	sadd.s32 $0x17B28, s7;
	s12 =	sadd.s32 $0x13B28, s7;
	s4 =	sor.u32 $0xC00, s4  }
0x85: {  	[tilespmem:s11], [sflag:$0x1] =	stream.indirect.gather [spmem:s1], $0x1, s12, s26, $0xb8;
	[tilespmem:$0x1B7A8] =	vst v63  }
0x86: {  	s7 =	sadd.s32 $0x17328, s4;
	s4 =	sadd.s32 $0x13328, s4  }
0x87: {  	[tilespmem:s7], [sflag:$0x1] =	stream.indirect.gather [spmem:s1], $0x1, s4, s26, $0xb8;
	[tilespmem:$0x1B7A8] =	vst v63  }
0x88: {  	v0 =	vld [tilespmem:$0x1B728];
	_ =	swait.ge [sflag:s28], $0x80  }
0x89: {  	[sflag:s28] =	ssyncset.done $0x0  }
0x8a: {  	[sflag:s28] =	ssyncadd.s32 $0xFFFFFF80  }
0x8b: {  	_ =	swait.ge [sflag:s28], $0x80  }
0x8c: {  	[sflag:s28] =	ssyncset.done $0x0  }
0x8d: {  	[sflag:s28] =	ssyncadd.s32 $0xFFFFFF80  }
0x8e: {  	_ =	swait.ge [sflag:s28], $0x80  }
0x8f: {  	[sflag:s28] =	ssyncset.done $0x0  }
0x90: {  	[sflag:s28] =	ssyncadd.s32 $0xFFFFFF80  }
0x91: {  	_ =	swait.ge [sflag:s28], $0x80  }
0x92: {  	[sflag:s28] =	ssyncset.done $0x0  }
0x93: {  	[sflag:s28] =	ssyncadd.s32 $0xFFFFFF80  }
0x94: {  	v1 =	vld [tilespmem:$0x17328]  }
0x95: {  	v2 =	vld [tilespmem:$0x17338]  }
0x96: {  	v3 =	vld [tilespmem:$0x17348]  }
0x97: {  	v4 =	vld [tilespmem:$0x17358]  }
0x98: {  	v5 =	vld [tilespmem:$0x17368]  }
0x99: {  	v6 =	vld [tilespmem:$0x17378];
	v1 =	vadd.f32 v1, v0  }
0x9a: {  	v7 =	vld [tilespmem:$0x17388];
	v2 =	vadd.f32 v2, v0  }
0x9b: {  	[tilespmem:$0x1B328] =	vst v1;
	v1 =	vadd.f32 v3, v0;
	v3 =	vld [tilespmem:$0x17398]  }
0x9c: {  	v44 =	vld [tilespmem:$0x17728];
	[tilespmem:$0x1B338] =	vst v2;
	v2 =	vadd.f32 v4, v0  }
0x9d: {  	v45 =	vld [tilespmem:$0x17738];
	[tilespmem:$0x1B348] =	vst v1;
	v1 =	vadd.f32 v5, v0  }
0x9e: {  	v46 =	vld [tilespmem:$0x17748];
	[tilespmem:$0x1B358] =	vst v2;
	v2 =	vadd.f32 v6, v0  }
0x9f: {  	v47 =	vld [tilespmem:$0x17758];
	[tilespmem:$0x1B368] =	vst v1;
	v1 =	vadd.f32 v7, v0  }
0xa0: {  	[tilespmem:$0x1B378] =	vst v2;
	v2 =	vadd.f32 v3, v0;
	v3 =	vld [tilespmem:$0x17768]  }
0xa1: {  	v48 =	vld [tilespmem:$0x17778];
	[tilespmem:$0x1B388] =	vst v1;
	v1 =	vadd.f32 v44, v0  }
0xa2: {  	v49 =	vld [tilespmem:$0x17788];
	[tilespmem:$0x1B398] =	vst v2;
	v2 =	vadd.f32 v45, v0  }
0xa3: {  	v50 =	vld [tilespmem:$0x17798];
	[tilespmem:$0x1B3A8] =	vst v1;
	v1 =	vadd.f32 v46, v0  }
0xa4: {  	v51 =	vld [tilespmem:$0x17B28];
	[tilespmem:$0x1B3B8] =	vst v2;
	v2 =	vadd.f32 v47, v0  }
0xa5: {  	[tilespmem:$0x1B3C8] =	vst v1;
	v1 =	vadd.f32 v3, v0;
	v3 =	vld [tilespmem:$0x17B38]  }
0xa6: {  	v52 =	vld [tilespmem:$0x17B48];
	[tilespmem:$0x1B3D8] =	vst v2;
	v2 =	vadd.f32 v48, v0  }
0xa7: {  	v53 =	vld [tilespmem:$0x17B58];
	[tilespmem:$0x1B3E8] =	vst v1;
	v1 =	vadd.f32 v49, v0  }
0xa8: {  	v54 =	vld [tilespmem:$0x17B68];
	[tilespmem:$0x1B3F8] =	vst v2;
	v2 =	vadd.f32 v50, v0  }
0xa9: {  	v55 =	vld [tilespmem:$0x17B78];
	[tilespmem:$0x1B408] =	vst v1;
	v1 =	vadd.f32 v51, v0  }
0xaa: {  	[tilespmem:$0x1B418] =	vst v2;
	v2 =	vadd.f32 v3, v0;
	v3 =	vld [tilespmem:$0x17B88]  }
0xab: {  	v56 =	vld [tilespmem:$0x17B98];
	[tilespmem:$0x1B428] =	vst v1;
	v1 =	vadd.f32 v52, v0  }
0xac: {  	v57 =	vld [tilespmem:$0x17F28];
	[tilespmem:$0x1B438] =	vst v2;
	v2 =	vadd.f32 v53, v0  }
0xad: {  	v58 =	vld [tilespmem:$0x17F38];
	[tilespmem:$0x1B448] =	vst v1;
	v1 =	vadd.f32 v54, v0  }
0xae: {  	v59 =	vld [tilespmem:$0x17F48];
	[tilespmem:$0x1B458] =	vst v2;
	v2 =	vadd.f32 v55, v0  }
0xaf: {  	[tilespmem:$0x1B468] =	vst v1;
	v1 =	vadd.f32 v3, v0;
	v3 =	vld [tilespmem:$0x17F58]  }
0xb0: {  	v60 =	vld [tilespmem:$0x17F68];
	[tilespmem:$0x1B478] =	vst v2;
	v2 =	vadd.f32 v56, v0  }
0xb1: {  	v61 =	vld [tilespmem:$0x17F78];
	[tilespmem:$0x1B488] =	vst v1;
	v1 =	vadd.f32 v57, v0  }
0xb2: {  	v62 =	vld [tilespmem:$0x17F88];
	[tilespmem:$0x1B498] =	vst v2;
	v2 =	vadd.f32 v58, v0  }
0xb3: {  	v63 =	vld [tilespmem:$0x17F98];
	[tilespmem:$0x1B4A8] =	vst v1;
	v1 =	vadd.f32 v59, v0  }
0xb4: {  	[tilespmem:$0x1B4B8] =	vst v2;
	v2 =	vadd.f32 v3, v0  }
0xb5: {  	[tilespmem:$0x1B4C8] =	vst v1;
	v1 =	vadd.f32 v60, v0  }
0xb6: {  	[tilespmem:$0x1B4D8] =	vst v2;
	v2 =	vadd.f32 v61, v0  }
0xb7: {  	[tilespmem:$0x1B4E8] =	vst v1;
	v1 =	vadd.f32 v62, v0  }
0xb8: {  	v0 =	vadd.f32 v63, v0;
	[tilespmem:$0x1B4F8] =	vst v2  }
0xb9: {  	[tilespmem:$0x1B508] =	vst v1  }
0xba: {  	[tilespmem:$0x1B518] =	vst v0  }
0xbb: {  	_ =	swait.ge [sflag:s28], $0x80  }
0xbc: {  	[sflag:s28] =	ssyncset.done $0x0  }
0xbd: {  	[sflag:s28] =	ssyncadd.s32 $0xFFFFFF80  }
0xbe: {  	_ =	swait.ge [sflag:s28], $0x80  }
0xbf: {  	[sflag:s28] =	ssyncset.done $0x0  }
0xc0: {  	[sflag:s28] =	ssyncadd.s32 $0xFFFFFF80  }
0xc1: {  	_ =	swait.ge [sflag:s28], $0x80  }
0xc2: {  	[sflag:s28] =	ssyncset.done $0x0  }
0xc3: {  	[sflag:s28] =	ssyncadd.s32 $0xFFFFFF80  }
0xc4: {  	_ =	swait.ge [sflag:s28], $0x80  }
0xc5: {  	s8 =	simm.s32 $0x200;
	s4 =	simm.s32 $0x80;
	[sflag:s28] =	ssyncset.done $0x0  }
0xc6: {  	s6 =	sand.u32 $0x3000, s8;
	s9 =	sand.u32 $0x380, s4;
	[sflag:s28] =	ssyncadd.s32 $0xFFFFFF80  }
0xc7: {  	s6 =	sor.u32 s9, s6;
	v0 =	vld [tilespmem:$0x1B328]  }
0xc8: {  	v1 =	vld [tilespmem:s6+$0x17328];
	_ =	sdelay $0x4  }
0xc9: {  	v0 =	vadd.f32 v1, v0;
	_ =	sdelay $0x1  }
0xca: {  	s7 =	sadd.s32 $0x17328, s6;
	v1 =	vld [tilespmem:$0x1B338];
	[tilespmem:$0x1B328] =	vst v0  }
0xcb: {  	v0 =	vld [tilespmem:s7+$0x10];
	_ =	sdelay $0x4  }
0xcc: {  	v0 =	vadd.f32 v0, v1;
	_ =	sdelay $0x1  }
0xcd: {  	v1 =	vld [tilespmem:$0x1B348];
	[tilespmem:$0x1B338] =	vst v0  }
0xce: {  	v0 =	vld [tilespmem:s7+$0x20];
	_ =	sdelay $0x4  }
0xcf: {  	v0 =	vadd.f32 v0, v1;
	_ =	sdelay $0x1  }
0xd0: {  	v1 =	vld [tilespmem:$0x1B358];
	[tilespmem:$0x1B348] =	vst v0  }
0xd1: {  	v0 =	vld [tilespmem:s7+$0x30];
	_ =	sdelay $0x4  }
0xd2: {  	v0 =	vadd.f32 v0, v1;
	_ =	sdelay $0x1  }
0xd3: {  	v1 =	vld [tilespmem:$0x1B368];
	[tilespmem:$0x1B358] =	vst v0  }
0xd4: {  	v0 =	vld [tilespmem:s6+$0x17368];
	_ =	sdelay $0x4  }
0xd5: {  	v0 =	vadd.f32 v0, v1;
	_ =	sdelay $0x1  }
0xd6: {  	v1 =	vld [tilespmem:$0x1B378];
	[tilespmem:$0x1B368] =	vst v0  }
0xd7: {  	v0 =	vld [tilespmem:s7+$0x50];
	_ =	sdelay $0x4  }
0xd8: {  	v0 =	vadd.f32 v0, v1;
	_ =	sdelay $0x1  }
0xd9: {  	v1 =	vld [tilespmem:$0x1B388];
	[tilespmem:$0x1B378] =	vst v0  }
0xda: {  	v0 =	vld [tilespmem:s7+$0x60];
	_ =	sdelay $0x4  }
0xdb: {  	v0 =	vadd.f32 v0, v1;
	_ =	sdelay $0x1  }
0xdc: {  	v1 =	vld [tilespmem:$0x1B398];
	[tilespmem:$0x1B388] =	vst v0  }
0xdd: {  	v0 =	vld [tilespmem:s7+$0x70];
	_ =	sdelay $0x4  }
0xde: {  	v0 =	vadd.f32 v0, v1;
	_ =	sdelay $0x1  }
0xdf: {  	v1 =	vld [tilespmem:$0x1B3A8];
	[tilespmem:$0x1B398] =	vst v0  }
0xe0: {  	v0 =	vld [tilespmem:s6+$0x17728];
	_ =	sdelay $0x4  }
0xe1: {  	v0 =	vadd.f32 v0, v1;
	_ =	sdelay $0x1  }
0xe2: {  	s10 =	sadd.s32 $0x17728, s6;
	v1 =	vld [tilespmem:$0x1B3B8];
	[tilespmem:$0x1B3A8] =	vst v0  }
0xe3: {  	v0 =	vld [tilespmem:s10+$0x10];
	_ =	sdelay $0x4  }
0xe4: {  	v0 =	vadd.f32 v0, v1;
	_ =	sdelay $0x1  }
0xe5: {  	v1 =	vld [tilespmem:$0x1B3C8];
	[tilespmem:$0x1B3B8] =	vst v0  }
0xe6: {  	v0 =	vld [tilespmem:s10+$0x20];
	_ =	sdelay $0x4  }
0xe7: {  	v0 =	vadd.f32 v0, v1;
	_ =	sdelay $0x1  }
0xe8: {  	v1 =	vld [tilespmem:$0x1B3D8];
	[tilespmem:$0x1B3C8] =	vst v0  }
0xe9: {  	v0 =	vld [tilespmem:s10+$0x30];
	_ =	sdelay $0x4  }
0xea: {  	v0 =	vadd.f32 v0, v1;
	_ =	sdelay $0x1  }
0xeb: {  	v1 =	vld [tilespmem:$0x1B3E8];
	[tilespmem:$0x1B3D8] =	vst v0  }
0xec: {  	v0 =	vld [tilespmem:s6+$0x17768];
	_ =	sdelay $0x4  }
0xed: {  	v0 =	vadd.f32 v0, v1;
	_ =	sdelay $0x1  }
0xee: {  	v1 =	vld [tilespmem:$0x1B3F8];
	[tilespmem:$0x1B3E8] =	vst v0  }
0xef: {  	v0 =	vld [tilespmem:s10+$0x50];
	_ =	sdelay $0x4  }
0xf0: {  	v0 =	vadd.f32 v0, v1;
	_ =	sdelay $0x1  }
0xf1: {  	v1 =	vld [tilespmem:$0x1B408];
	[tilespmem:$0x1B3F8] =	vst v0  }
0xf2: {  	v0 =	vld [tilespmem:s10+$0x60];
	_ =	sdelay $0x4  }
0xf3: {  	v0 =	vadd.f32 v0, v1;
	_ =	sdelay $0x1  }
0xf4: {  	v1 =	vld [tilespmem:$0x1B418];
	[tilespmem:$0x1B408] =	vst v0  }
0xf5: {  	v0 =	vld [tilespmem:s10+$0x70];
	_ =	sdelay $0x4  }
0xf6: {  	v0 =	vadd.f32 v0, v1;
	_ =	sdelay $0x1  }
0xf7: {  	v1 =	vld [tilespmem:$0x1B428];
	[tilespmem:$0x1B418] =	vst v0  }
0xf8: {  	v0 =	vld [tilespmem:s6+$0x17B28];
	_ =	sdelay $0x4  }
0xf9: {  	v0 =	vadd.f32 v0, v1;
	_ =	sdelay $0x1  }
0xfa: {  	s11 =	sadd.s32 $0x17B28, s6;
	v1 =	vld [tilespmem:$0x1B438];
	[tilespmem:$0x1B428] =	vst v0  }
0xfb: {  	v0 =	vld [tilespmem:s11+$0x10];
	_ =	sdelay $0x4  }
0xfc: {  	v0 =	vadd.f32 v0, v1;
	_ =	sdelay $0x1  }
0xfd: {  	v1 =	vld [tilespmem:$0x1B448];
	[tilespmem:$0x1B438] =	vst v0  }
0xfe: {  	v0 =	vld [tilespmem:s11+$0x20];
	_ =	sdelay $0x4  }
0xff: {  	v0 =	vadd.f32 v0, v1;
	_ =	sdelay $0x1  }
0x100: {  	v1 =	vld [tilespmem:$0x1B458];
	[tilespmem:$0x1B448] =	vst v0  }
0x101: {  	v0 =	vld [tilespmem:s11+$0x30];
	_ =	sdelay $0x4  }
0x102: {  	v0 =	vadd.f32 v0, v1;
	_ =	sdelay $0x1  }
0x103: {  	v1 =	vld [tilespmem:$0x1B468];
	[tilespmem:$0x1B458] =	vst v0  }
0x104: {  	v0 =	vld [tilespmem:s6+$0x17B68];
	_ =	sdelay $0x4  }
0x105: {  	v0 =	vadd.f32 v0, v1;
	_ =	sdelay $0x1  }
0x106: {  	v1 =	vld [tilespmem:$0x1B478];
	[tilespmem:$0x1B468] =	vst v0  }
0x107: {  	v0 =	vld [tilespmem:s11+$0x50];
	_ =	sdelay $0x4  }
0x108: {  	v0 =	vadd.f32 v0, v1;
	_ =	sdelay $0x1  }
0x109: {  	v1 =	vld [tilespmem:$0x1B488];
	[tilespmem:$0x1B478] =	vst v0  }
0x10a: {  	v0 =	vld [tilespmem:s11+$0x60];
	_ =	sdelay $0x4  }
0x10b: {  	v0 =	vadd.f32 v0, v1;
	_ =	sdelay $0x1  }
0x10c: {  	v1 =	vld [tilespmem:$0x1B498];
	[tilespmem:$0x1B488] =	vst v0  }
0x10d: {  	v0 =	vld [tilespmem:s11+$0x70];
	_ =	sdelay $0x4  }
0x10e: {  	v0 =	vadd.f32 v0, v1;
	_ =	sdelay $0x1  }
0x10f: {  	v1 =	vld [tilespmem:$0x1B4A8];
	[tilespmem:$0x1B498] =	vst v0  }
0x110: {  	v0 =	vld [tilespmem:s6+$0x17F28];
	_ =	sdelay $0x4  }
0x111: {  	v0 =	vadd.f32 v0, v1;
	_ =	sdelay $0x1  }
0x112: {  	s12 =	sadd.s32 $0x17F28, s6;
	v1 =	vld [tilespmem:$0x1B4B8];
	[tilespmem:$0x1B4A8] =	vst v0  }
0x113: {  	v0 =	vld [tilespmem:s12+$0x10];
	_ =	sdelay $0x4  }
0x114: {  	v0 =	vadd.f32 v0, v1;
	_ =	sdelay $0x1  }
0x115: {  	v1 =	vld [tilespmem:$0x1B4C8];
	[tilespmem:$0x1B4B8] =	vst v0  }
0x116: {  	v0 =	vld [tilespmem:s12+$0x20];
	_ =	sdelay $0x4  }
0x117: {  	v0 =	vadd.f32 v0, v1;
	_ =	sdelay $0x1  }
0x118: {  	v1 =	vld [tilespmem:$0x1B4D8];
	[tilespmem:$0x1B4C8] =	vst v0  }
0x119: {  	v0 =	vld [tilespmem:s12+$0x30];
	_ =	sdelay $0x4  }
0x11a: {  	v0 =	vadd.f32 v0, v1;
	_ =	sdelay $0x1  }
0x11b: {  	v1 =	vld [tilespmem:$0x1B4E8];
	[tilespmem:$0x1B4D8] =	vst v0  }
0x11c: {  	v0 =	vld [tilespmem:s6+$0x17F68];
	_ =	sdelay $0x4  }
0x11d: {  	v0 =	vadd.f32 v0, v1;
	_ =	sdelay $0x1  }
0x11e: {  	v1 =	vld [tilespmem:$0x1B4F8];
	[tilespmem:$0x1B4E8] =	vst v0  }
0x11f: {  	v0 =	vld [tilespmem:s12+$0x50];
	_ =	sdelay $0x4  }
0x120: {  	v0 =	vadd.f32 v0, v1;
	_ =	sdelay $0x1  }
0x121: {  	v1 =	vld [tilespmem:$0x1B508];
	[tilespmem:$0x1B4F8] =	vst v0  }
0x122: {  	v0 =	vld [tilespmem:s12+$0x60];
	_ =	sdelay $0x4  }
0x123: {  	v0 =	vadd.f32 v0, v1;
	_ =	sdelay $0x1  }
0x124: {  	v1 =	vld [tilespmem:$0x1B518];
	[tilespmem:$0x1B508] =	vst v0  }
0x125: {  	v0 =	vld [tilespmem:s12+$0x70];
	_ =	sdelay $0x4  }
0x126: {  	s6 =	simm.s32 $0x400;
	v0 =	vadd.f32 v0, v1  }
.LBB2_4:
0x127: {  	p3 =	sne.s32 s6, $0x3200  }
0x128: {  	s4 =	sadd.s32 $0x80, s4;
	s7 =	smov.u32 s6;
	s6 =	sadd.s32 $0x200, s6  }
0x129: {  	[tilespmem:$0x1B518] =	vst v0  }
0x12a: {  	_ =	swait.ge [sflag:s28], $0x80  }
0x12b: {  	[sflag:s28] =	ssyncset.done $0x0  }
0x12c: {  	[sflag:s28] =	ssyncadd.s32 $0xFFFFFF80  }
0x12d: {  	_ =	swait.ge [sflag:s28], $0x80  }
0x12e: {  	[sflag:s28] =	ssyncset.done $0x0  }
0x12f: {  	[sflag:s28] =	ssyncadd.s32 $0xFFFFFF80  }
0x130: {  	_ =	swait.ge [sflag:s28], $0x80  }
0x131: {  	[sflag:s28] =	ssyncset.done $0x0  }
0x132: {  	[sflag:s28] =	ssyncadd.s32 $0xFFFFFF80  }
0x133: {  	_ =	swait.ge [sflag:s28], $0x80  }
0x134: {  	s7 =	sand.u32 $0x3000, s7;
	s8 =	sand.u32 $0x380, s4;
	[sflag:s28] =	ssyncset.done $0x0  }
0x135: {  	s7 =	sor.u32 s8, s7;
	[sflag:s28] =	ssyncadd.s32 $0xFFFFFF80  }
0x136: {  	v0 =	vld [tilespmem:$0x1B328]  }
0x137: {  	v1 =	vld [tilespmem:s7+$0x17328]  }
0x138: {  	v2 =	vld [tilespmem:$0x1B338]  }
0x139: {  	v3 =	vld [tilespmem:$0x1B348]  }
0x13a: {  	v4 =	vld [tilespmem:$0x1B358]  }
0x13b: {  	v21 =	vld [tilespmem:$0x1B368]  }
0x13c: {  	v0 =	vadd.f32 v1, v0;
	v22 =	vld [tilespmem:$0x1B378]  }
0x13d: {  	s8 =	sadd.s32 $0x17328, s7;
	v23 =	vld [tilespmem:$0x1B388]  }
0x13e: {  	[tilespmem:$0x1B328] =	vst v0;
	v24 =	vld [tilespmem:$0x1B398]  }
0x13f: {  	v0 =	vld [tilespmem:s8+$0x10]  }
0x140: {  	v25 =	vld [tilespmem:$0x1B3A8]  }
0x141: {  	v26 =	vld [tilespmem:$0x1B3B8]  }
0x142: {  	v27 =	vld [tilespmem:$0x1B3C8]  }
0x143: {  	v20 =	vld [tilespmem:$0x1B3D8]  }
0x144: {  	v0 =	vadd.f32 v0, v2;
	v19 =	vld [tilespmem:$0x1B3E8]  }
0x145: {  	v18 =	vld [tilespmem:$0x1B3F8]  }
0x146: {  	[tilespmem:$0x1B338] =	vst v0;
	v17 =	vld [tilespmem:$0x1B408]  }
0x147: {  	v0 =	vld [tilespmem:s8+$0x20]  }
0x148: {  	v16 =	vld [tilespmem:$0x1B418]  }
0x149: {  	v15 =	vld [tilespmem:$0x1B428]  }
0x14a: {  	v14 =	vld [tilespmem:$0x1B438]  }
0x14b: {  	v13 =	vld [tilespmem:$0x1B448]  }
0x14c: {  	v0 =	vadd.f32 v0, v3;
	v12 =	vld [tilespmem:$0x1B458]  }
0x14d: {  	v11 =	vld [tilespmem:$0x1B468]  }
0x14e: {  	[tilespmem:$0x1B348] =	vst v0;
	v10 =	vld [tilespmem:$0x1B478]  }
0x14f: {  	v0 =	vld [tilespmem:s8+$0x30]  }
0x150: {  	v9 =	vld [tilespmem:$0x1B488]  }
0x151: {  	v8 =	vld [tilespmem:$0x1B498]  }
0x152: {  	v7 =	vld [tilespmem:$0x1B4A8]  }
0x153: {  	v6 =	vld [tilespmem:$0x1B4B8]  }
0x154: {  	v0 =	vadd.f32 v0, v4;
	v5 =	vld [tilespmem:$0x1B4C8]  }
0x155: {  	v4 =	vld [tilespmem:$0x1B4D8]  }
0x156: {  	[tilespmem:$0x1B358] =	vst v0;
	v3 =	vld [tilespmem:$0x1B4E8]  }
0x157: {  	v28 =	vld [tilespmem:s7+$0x17368]  }
0x158: {  	v2 =	vld [tilespmem:$0x1B4F8]  }
0x159: {  	v1 =	vld [tilespmem:$0x1B508]  }
0x15a: {  	v0 =	vld [tilespmem:$0x1B518];
	_ =	sdelay $0x1  }
0x15b: {  	v21 =	vadd.f32 v28, v21;
	_ =	sdelay $0x1  }
0x15c: {  	[tilespmem:$0x1B368] =	vst v21  }
0x15d: {  	v21 =	vld [tilespmem:s8+$0x50];
	_ =	sdelay $0x4  }
0x15e: {  	v21 =	vadd.f32 v21, v22;
	_ =	sdelay $0x1  }
0x15f: {  	[tilespmem:$0x1B378] =	vst v21  }
0x160: {  	v21 =	vld [tilespmem:s8+$0x60];
	_ =	sdelay $0x4  }
0x161: {  	v21 =	vadd.f32 v21, v23;
	_ =	sdelay $0x1  }
0x162: {  	[tilespmem:$0x1B388] =	vst v21  }
0x163: {  	v21 =	vld [tilespmem:s8+$0x70];
	_ =	sdelay $0x4  }
0x164: {  	v21 =	vadd.f32 v21, v24;
	_ =	sdelay $0x1  }
0x165: {  	[tilespmem:$0x1B398] =	vst v21  }
0x166: {  	v21 =	vld [tilespmem:s7+$0x17728];
	_ =	sdelay $0x4  }
0x167: {  	v21 =	vadd.f32 v21, v25  }
0x168: {  	s8 =	sadd.s32 $0x17728, s7  }
0x169: {  	[tilespmem:$0x1B3A8] =	vst v21  }
0x16a: {  	v21 =	vld [tilespmem:s8+$0x10];
	_ =	sdelay $0x4  }
0x16b: {  	v21 =	vadd.f32 v21, v26;
	_ =	sdelay $0x1  }
0x16c: {  	[tilespmem:$0x1B3B8] =	vst v21  }
0x16d: {  	v21 =	vld [tilespmem:s8+$0x20];
	_ =	sdelay $0x4  }
0x16e: {  	v21 =	vadd.f32 v21, v27;
	_ =	sdelay $0x1  }
0x16f: {  	[tilespmem:$0x1B3C8] =	vst v21  }
0x170: {  	v21 =	vld [tilespmem:s8+$0x30];
	_ =	sdelay $0x4  }
0x171: {  	v20 =	vadd.f32 v21, v20;
	_ =	sdelay $0x1  }
0x172: {  	[tilespmem:$0x1B3D8] =	vst v20  }
0x173: {  	v20 =	vld [tilespmem:s7+$0x17768];
	_ =	sdelay $0x4  }
0x174: {  	v19 =	vadd.f32 v20, v19;
	_ =	sdelay $0x1  }
0x175: {  	[tilespmem:$0x1B3E8] =	vst v19  }
0x176: {  	v19 =	vld [tilespmem:s8+$0x50];
	_ =	sdelay $0x4  }
0x177: {  	v18 =	vadd.f32 v19, v18;
	_ =	sdelay $0x1  }
0x178: {  	[tilespmem:$0x1B3F8] =	vst v18  }
0x179: {  	v18 =	vld [tilespmem:s8+$0x60];
	_ =	sdelay $0x4  }
0x17a: {  	v17 =	vadd.f32 v18, v17;
	_ =	sdelay $0x1  }
0x17b: {  	[tilespmem:$0x1B408] =	vst v17  }
0x17c: {  	v17 =	vld [tilespmem:s8+$0x70];
	_ =	sdelay $0x4  }
0x17d: {  	v16 =	vadd.f32 v17, v16;
	_ =	sdelay $0x1  }
0x17e: {  	[tilespmem:$0x1B418] =	vst v16  }
0x17f: {  	v16 =	vld [tilespmem:s7+$0x17B28];
	_ =	sdelay $0x4  }
0x180: {  	v15 =	vadd.f32 v16, v15  }
0x181: {  	s8 =	sadd.s32 $0x17B28, s7  }
0x182: {  	[tilespmem:$0x1B428] =	vst v15  }
0x183: {  	v15 =	vld [tilespmem:s8+$0x10];
	_ =	sdelay $0x4  }
0x184: {  	v14 =	vadd.f32 v15, v14;
	_ =	sdelay $0x1  }
0x185: {  	[tilespmem:$0x1B438] =	vst v14  }
0x186: {  	v14 =	vld [tilespmem:s8+$0x20];
	_ =	sdelay $0x4  }
0x187: {  	v13 =	vadd.f32 v14, v13;
	_ =	sdelay $0x1  }
0x188: {  	[tilespmem:$0x1B448] =	vst v13  }
0x189: {  	v13 =	vld [tilespmem:s8+$0x30];
	_ =	sdelay $0x4  }
0x18a: {  	v12 =	vadd.f32 v13, v12;
	_ =	sdelay $0x1  }
0x18b: {  	[tilespmem:$0x1B458] =	vst v12  }
0x18c: {  	v12 =	vld [tilespmem:s7+$0x17B68];
	_ =	sdelay $0x4  }
0x18d: {  	v11 =	vadd.f32 v12, v11;
	_ =	sdelay $0x1  }
0x18e: {  	[tilespmem:$0x1B468] =	vst v11  }
0x18f: {  	v11 =	vld [tilespmem:s8+$0x50];
	_ =	sdelay $0x4  }
0x190: {  	v10 =	vadd.f32 v11, v10;
	_ =	sdelay $0x1  }
0x191: {  	[tilespmem:$0x1B478] =	vst v10  }
0x192: {  	v10 =	vld [tilespmem:s8+$0x60];
	_ =	sdelay $0x4  }
0x193: {  	v9 =	vadd.f32 v10, v9;
	_ =	sdelay $0x1  }
0x194: {  	[tilespmem:$0x1B488] =	vst v9  }
0x195: {  	v9 =	vld [tilespmem:s8+$0x70];
	_ =	sdelay $0x4  }
0x196: {  	v8 =	vadd.f32 v9, v8;
	_ =	sdelay $0x1  }
0x197: {  	[tilespmem:$0x1B498] =	vst v8  }
0x198: {  	v8 =	vld [tilespmem:s7+$0x17F28];
	_ =	sdelay $0x4  }
0x199: {  	v7 =	vadd.f32 v8, v7  }
0x19a: {  	s8 =	sadd.s32 $0x17F28, s7  }
0x19b: {  	[tilespmem:$0x1B4A8] =	vst v7  }
0x19c: {  	v7 =	vld [tilespmem:s8+$0x10];
	_ =	sdelay $0x4  }
0x19d: {  	v6 =	vadd.f32 v7, v6;
	_ =	sdelay $0x1  }
0x19e: {  	[tilespmem:$0x1B4B8] =	vst v6  }
0x19f: {  	v6 =	vld [tilespmem:s8+$0x20];
	_ =	sdelay $0x4  }
0x1a0: {  	v5 =	vadd.f32 v6, v5;
	_ =	sdelay $0x1  }
0x1a1: {  	[tilespmem:$0x1B4C8] =	vst v5  }
0x1a2: {  	v5 =	vld [tilespmem:s8+$0x30];
	_ =	sdelay $0x4  }
0x1a3: {  	v4 =	vadd.f32 v5, v4;
	_ =	sdelay $0x1  }
0x1a4: {  	[tilespmem:$0x1B4D8] =	vst v4  }
0x1a5: {  	v4 =	vld [tilespmem:s7+$0x17F68];
	_ =	sdelay $0x4  }
0x1a6: {  	v3 =	vadd.f32 v4, v3;
	_ =	sdelay $0x1  }
0x1a7: {  	[tilespmem:$0x1B4E8] =	vst v3  }
0x1a8: {  	v3 =	vld [tilespmem:s8+$0x50];
	_ =	sdelay $0x4  }
0x1a9: {  	v2 =	vadd.f32 v3, v2;
	_ =	sdelay $0x1  }
0x1aa: {  	[tilespmem:$0x1B4F8] =	vst v2  }
0x1ab: {  	v2 =	vld [tilespmem:s8+$0x60];
	_ =	sdelay $0x4  }
0x1ac: {  	v1 =	vadd.f32 v2, v1;
	_ =	sdelay $0x1  }
0x1ad: {  	[tilespmem:$0x1B508] =	vst v1  }
0x1ae: {  	v1 =	vld [tilespmem:s8+$0x70]  }
.Ltmp1:
0x1af: {  	(pc) =	sbr.rel @p3 .LBB2_4-.Ltmp1, $2  }
0x1b0: {  	_ =	sdelay $0x2  }
0x1b1: {  	v0 =	vadd.f32 v1, v0  }
0x1b2: {  	_ = 	snop  }
0x1b3: {  	s4 =	simm.s32 $0x1B328;
	[tilespmem:$0x1B518] =	vst v0  }
0x1b4: {  	[hbm4b:s17+s2] =	stream.linear.scatter [tilespmem:s4], [sflag:$0x2], $0x200, $0x38;
	[tilespmem:$0x1B7A8] =	vst v63  }
0x1b5: {  	v50 =	vld [tilespmem:$0x1B328];
	_ =	sdelay $0x4  }
0x1b6: {  	v0 =	vsub.f32 $0.0e+00, v50;
	_ =	sdelay $0x1  }
0x1b7: {  	v0 =	vmul.f32 $1.442695020e+00, v0;
	_ =	sdelay $0x1  }
0x1b8: {  	(erf) = vpow2.f32 v0;
	_ =	sdelay $0x3  }
0x1b9: {  	v51 =	vld [tilespmem:$0x1B338];
	_ =	sdelay $0x4  }
0x1ba: {  	v0 =	vsub.f32 $0.0e+00, v51;
	v1 =	vpop (erf)  }
0x1bb: {  	v1 =	vadd.f32 $1.000000000e+00, v1  }
0x1bc: {  	v0 =	vmul.f32 $1.442695020e+00, v0  }
0x1bd: {  	(erf) = vrcp.f32 v1  }
0x1be: {  	(erf) = vpow2.f32 v0;
	_ =	sdelay $0x3  }
0x1bf: {  	v52 =	vld [tilespmem:$0x1B348];
	_ =	sdelay $0x3  }
0x1c0: {  	v0 =	vpop (erf)  }
0x1c1: {  	v1 =	vsub.f32 $0.0e+00, v52;
	v2 =	vpop (erf)  }
0x1c2: {  	v2 =	vadd.f32 $1.000000000e+00, v2  }
0x1c3: {  	v1 =	vmul.f32 $1.442695020e+00, v1  }
0x1c4: {  	(erf) = vrcp.f32 v2  }
0x1c5: {  	(erf) = vpow2.f32 v1;
	_ =	sdelay $0x3  }
0x1c6: {  	v53 =	vld [tilespmem:$0x1B358];
	_ =	sdelay $0x3  }
0x1c7: {  	v1 =	vpop (erf)  }
0x1c8: {  	v2 =	vsub.f32 $0.0e+00, v53;
	v3 =	vpop (erf)  }
0x1c9: {  	v3 =	vadd.f32 $1.000000000e+00, v3  }
0x1ca: {  	v2 =	vmul.f32 $1.442695020e+00, v2  }
0x1cb: {  	(erf) = vrcp.f32 v3  }
0x1cc: {  	(erf) = vpow2.f32 v2;
	_ =	sdelay $0x3  }
0x1cd: {  	v54 =	vld [tilespmem:$0x1B368];
	_ =	sdelay $0x3  }
0x1ce: {  	v2 =	vpop (erf)  }
0x1cf: {  	v3 =	vsub.f32 $0.0e+00, v54;
	v4 =	vpop (erf)  }
0x1d0: {  	v4 =	vadd.f32 $1.000000000e+00, v4  }
0x1d1: {  	v3 =	vmul.f32 $1.442695020e+00, v3  }
0x1d2: {  	(erf) = vrcp.f32 v4  }
0x1d3: {  	(erf) = vpow2.f32 v3;
	_ =	sdelay $0x3  }
0x1d4: {  	v55 =	vld [tilespmem:$0x1B378];
	_ =	sdelay $0x3  }
0x1d5: {  	v3 =	vpop (erf)  }
0x1d6: {  	v4 =	vsub.f32 $0.0e+00, v55;
	v5 =	vpop (erf)  }
0x1d7: {  	v5 =	vadd.f32 $1.000000000e+00, v5  }
0x1d8: {  	v4 =	vmul.f32 $1.442695020e+00, v4  }
0x1d9: {  	(erf) = vrcp.f32 v5  }
0x1da: {  	(erf) = vpow2.f32 v4;
	_ =	sdelay $0x3  }
0x1db: {  	v56 =	vld [tilespmem:$0x1B388];
	_ =	sdelay $0x3  }
0x1dc: {  	v4 =	vpop (erf)  }
0x1dd: {  	v5 =	vsub.f32 $0.0e+00, v56;
	v6 =	vpop (erf)  }
0x1de: {  	v6 =	vadd.f32 $1.000000000e+00, v6  }
0x1df: {  	v5 =	vmul.f32 $1.442695020e+00, v5  }
0x1e0: {  	(erf) = vrcp.f32 v6  }
0x1e1: {  	(erf) = vpow2.f32 v5;
	_ =	sdelay $0x3  }
0x1e2: {  	v57 =	vld [tilespmem:$0x1B398];
	_ =	sdelay $0x3  }
0x1e3: {  	v5 =	vpop (erf)  }
0x1e4: {  	v6 =	vsub.f32 $0.0e+00, v57;
	v7 =	vpop (erf)  }
0x1e5: {  	v7 =	vadd.f32 $1.000000000e+00, v7  }
0x1e6: {  	v6 =	vmul.f32 $1.442695020e+00, v6  }
0x1e7: {  	(erf) = vrcp.f32 v7  }
0x1e8: {  	(erf) = vpow2.f32 v6;
	_ =	sdelay $0x3  }
0x1e9: {  	v58 =	vld [tilespmem:$0x1B3A8];
	_ =	sdelay $0x3  }
0x1ea: {  	v6 =	vpop (erf)  }
0x1eb: {  	v7 =	vsub.f32 $0.0e+00, v58;
	v8 =	vpop (erf)  }
0x1ec: {  	v8 =	vadd.f32 $1.000000000e+00, v8  }
0x1ed: {  	v7 =	vmul.f32 $1.442695020e+00, v7  }
0x1ee: {  	(erf) = vrcp.f32 v8  }
0x1ef: {  	(erf) = vpow2.f32 v7;
	_ =	sdelay $0x3  }
0x1f0: {  	v59 =	vld [tilespmem:$0x1B3B8];
	_ =	sdelay $0x3  }
0x1f1: {  	v7 =	vpop (erf)  }
0x1f2: {  	v8 =	vsub.f32 $0.0e+00, v59;
	v9 =	vpop (erf)  }
0x1f3: {  	v9 =	vadd.f32 $1.000000000e+00, v9  }
0x1f4: {  	v8 =	vmul.f32 $1.442695020e+00, v8  }
0x1f5: {  	(erf) = vrcp.f32 v9  }
0x1f6: {  	(erf) = vpow2.f32 v8;
	_ =	sdelay $0x3  }
0x1f7: {  	v60 =	vld [tilespmem:$0x1B3C8];
	_ =	sdelay $0x3  }
0x1f8: {  	v61 =	vpop (erf)  }
0x1f9: {  	v9 =	vsub.f32 $0.0e+00, v60;
	v10 =	vpop (erf)  }
0x1fa: {  	v10 =	vadd.f32 $1.000000000e+00, v10  }
0x1fb: {  	v9 =	vmul.f32 $1.442695020e+00, v9  }
0x1fc: {  	(erf) = vrcp.f32 v10  }
0x1fd: {  	(erf) = vpow2.f32 v9;
	_ =	sdelay $0x3  }
0x1fe: {  	v62 =	vld [tilespmem:$0x1B3D8];
	_ =	sdelay $0x3  }
0x1ff: {  	v63 =	vpop (erf)  }
0x200: {  	v10 =	vsub.f32 $0.0e+00, v62;
	v11 =	vpop (erf)  }
0x201: {  	v11 =	vadd.f32 $1.000000000e+00, v11  }
0x202: {  	v10 =	vmul.f32 $1.442695020e+00, v10  }
0x203: {  	(erf) = vrcp.f32 v11  }
0x204: {  	(erf) = vpow2.f32 v10;
	_ =	sdelay $0x3  }
0x205: {  	v33 =	vld [tilespmem:$0x1B3E8];
	_ =	sdelay $0x3  }
0x206: {  	v34 =	vpop (erf)  }
0x207: {  	v11 =	vsub.f32 $0.0e+00, v33;
	v12 =	vpop (erf)  }
0x208: {  	v12 =	vadd.f32 $1.000000000e+00, v12  }
0x209: {  	v11 =	vmul.f32 $1.442695020e+00, v11  }
0x20a: {  	(erf) = vrcp.f32 v12  }
0x20b: {  	(erf) = vpow2.f32 v11;
	_ =	sdelay $0x3  }
0x20c: {  	v35 =	vld [tilespmem:$0x1B3F8];
	_ =	sdelay $0x3  }
0x20d: {  	v36 =	vpop (erf)  }
0x20e: {  	v12 =	vsub.f32 $0.0e+00, v35;
	v13 =	vpop (erf)  }
0x20f: {  	v13 =	vadd.f32 $1.000000000e+00, v13  }
0x210: {  	v12 =	vmul.f32 $1.442695020e+00, v12  }
0x211: {  	(erf) = vrcp.f32 v13  }
0x212: {  	(erf) = vpow2.f32 v12;
	_ =	sdelay $0x3  }
0x213: {  	v37 =	vld [tilespmem:$0x1B408];
	_ =	sdelay $0x3  }
0x214: {  	v38 =	vpop (erf)  }
0x215: {  	v13 =	vsub.f32 $0.0e+00, v37;
	v14 =	vpop (erf)  }
0x216: {  	v14 =	vadd.f32 $1.000000000e+00, v14  }
0x217: {  	v13 =	vmul.f32 $1.442695020e+00, v13  }
0x218: {  	(erf) = vrcp.f32 v14  }
0x219: {  	(erf) = vpow2.f32 v13;
	_ =	sdelay $0x3  }
0x21a: {  	v39 =	vld [tilespmem:$0x1B418];
	_ =	sdelay $0x3  }
0x21b: {  	v40 =	vpop (erf)  }
0x21c: {  	v14 =	vsub.f32 $0.0e+00, v39;
	v15 =	vpop (erf)  }
0x21d: {  	v15 =	vadd.f32 $1.000000000e+00, v15  }
0x21e: {  	v14 =	vmul.f32 $1.442695020e+00, v14  }
0x21f: {  	(erf) = vrcp.f32 v15  }
0x220: {  	(erf) = vpow2.f32 v14;
	_ =	sdelay $0x3  }
0x221: {  	v41 =	vld [tilespmem:$0x1B428];
	_ =	sdelay $0x3  }
0x222: {  	v42 =	vpop (erf)  }
0x223: {  	v15 =	vsub.f32 $0.0e+00, v41;
	v16 =	vpop (erf)  }
0x224: {  	v16 =	vadd.f32 $1.000000000e+00, v16  }
0x225: {  	v15 =	vmul.f32 $1.442695020e+00, v15  }
0x226: {  	(erf) = vrcp.f32 v16  }
0x227: {  	(erf) = vpow2.f32 v15;
	_ =	sdelay $0x3  }
0x228: {  	v43 =	vld [tilespmem:$0x1B438];
	_ =	sdelay $0x3  }
0x229: {  	v44 =	vpop (erf)  }
0x22a: {  	v16 =	vsub.f32 $0.0e+00, v43;
	v17 =	vpop (erf)  }
0x22b: {  	v17 =	vadd.f32 $1.000000000e+00, v17  }
0x22c: {  	v16 =	vmul.f32 $1.442695020e+00, v16  }
0x22d: {  	(erf) = vrcp.f32 v17  }
0x22e: {  	(erf) = vpow2.f32 v16;
	_ =	sdelay $0x3  }
0x22f: {  	v45 =	vld [tilespmem:$0x1B448];
	_ =	sdelay $0x3  }
0x230: {  	v17 =	vpop (erf)  }
0x231: {  	v16 =	vsub.f32 $0.0e+00, v45;
	v18 =	vpop (erf)  }
0x232: {  	v18 =	vadd.f32 $1.000000000e+00, v18  }
0x233: {  	v16 =	vmul.f32 $1.442695020e+00, v16  }
0x234: {  	(erf) = vrcp.f32 v18  }
0x235: {  	(erf) = vpow2.f32 v16;
	_ =	sdelay $0x3  }
0x236: {  	v46 =	vld [tilespmem:$0x1B458];
	_ =	sdelay $0x3  }
0x237: {  	v18 =	vpop (erf)  }
0x238: {  	v16 =	vsub.f32 $0.0e+00, v46;
	v19 =	vpop (erf)  }
0x239: {  	v19 =	vadd.f32 $1.000000000e+00, v19  }
0x23a: {  	v16 =	vmul.f32 $1.442695020e+00, v16  }
0x23b: {  	(erf) = vrcp.f32 v19  }
0x23c: {  	(erf) = vpow2.f32 v16;
	_ =	sdelay $0x3  }
0x23d: {  	v47 =	vld [tilespmem:$0x1B468];
	_ =	sdelay $0x3  }
0x23e: {  	v19 =	vpop (erf)  }
0x23f: {  	v16 =	vsub.f32 $0.0e+00, v47;
	v20 =	vpop (erf)  }
0x240: {  	v20 =	vadd.f32 $1.000000000e+00, v20  }
0x241: {  	v16 =	vmul.f32 $1.442695020e+00, v16  }
0x242: {  	(erf) = vrcp.f32 v20  }
0x243: {  	(erf) = vpow2.f32 v16;
	_ =	sdelay $0x3  }
0x244: {  	v48 =	vld [tilespmem:$0x1B478];
	_ =	sdelay $0x3  }
0x245: {  	v20 =	vpop (erf)  }
0x246: {  	v16 =	vsub.f32 $0.0e+00, v48;
	v21 =	vpop (erf)  }
0x247: {  	v21 =	vadd.f32 $1.000000000e+00, v21  }
0x248: {  	v16 =	vmul.f32 $1.442695020e+00, v16  }
0x249: {  	(erf) = vrcp.f32 v21  }
0x24a: {  	(erf) = vpow2.f32 v16;
	_ =	sdelay $0x3  }
0x24b: {  	v49 =	vld [tilespmem:$0x1B488];
	_ =	sdelay $0x3  }
0x24c: {  	v21 =	vpop (erf)  }
0x24d: {  	v16 =	vsub.f32 $0.0e+00, v49;
	v22 =	vpop (erf)  }
0x24e: {  	v22 =	vadd.f32 $1.000000000e+00, v22  }
0x24f: {  	v16 =	vmul.f32 $1.442695020e+00, v16  }
0x250: {  	(erf) = vrcp.f32 v22  }
0x251: {  	(erf) = vpow2.f32 v16;
	_ =	sdelay $0x3  }
0x252: {  	v50 =	vld [tilespmem:$0x1B498];
	_ =	sdelay $0x3  }
0x253: {  	v22 =	vpop (erf)  }
0x254: {  	v16 =	vsub.f32 $0.0e+00, v50;
	v23 =	vpop (erf)  }
0x255: {  	v23 =	vadd.f32 $1.000000000e+00, v23  }
0x256: {  	v16 =	vmul.f32 $1.442695020e+00, v16  }
0x257: {  	(erf) = vrcp.f32 v23  }
0x258: {  	(erf) = vpow2.f32 v16;
	_ =	sdelay $0x3  }
0x259: {  	v51 =	vld [tilespmem:$0x1B4A8];
	_ =	sdelay $0x3  }
0x25a: {  	v23 =	vpop (erf)  }
0x25b: {  	v16 =	vsub.f32 $0.0e+00, v51;
	v24 =	vpop (erf)  }
0x25c: {  	v24 =	vadd.f32 $1.000000000e+00, v24  }
0x25d: {  	v16 =	vmul.f32 $1.442695020e+00, v16  }
0x25e: {  	(erf) = vrcp.f32 v24  }
0x25f: {  	(erf) = vpow2.f32 v16;
	_ =	sdelay $0x3  }
0x260: {  	v52 =	vld [tilespmem:$0x1B4B8];
	_ =	sdelay $0x3  }
0x261: {  	v24 =	vpop (erf)  }
0x262: {  	v16 =	vsub.f32 $0.0e+00, v52;
	v25 =	vpop (erf)  }
0x263: {  	v25 =	vadd.f32 $1.000000000e+00, v25  }
0x264: {  	v16 =	vmul.f32 $1.442695020e+00, v16  }
0x265: {  	(erf) = vrcp.f32 v25  }
0x266: {  	(erf) = vpow2.f32 v16;
	_ =	sdelay $0x3  }
0x267: {  	v53 =	vld [tilespmem:$0x1B4C8];
	_ =	sdelay $0x3  }
0x268: {  	v25 =	vpop (erf)  }
0x269: {  	v16 =	vsub.f32 $0.0e+00, v53;
	v26 =	vpop (erf)  }
0x26a: {  	v26 =	vadd.f32 $1.000000000e+00, v26  }
0x26b: {  	v16 =	vmul.f32 $1.442695020e+00, v16  }
0x26c: {  	(erf) = vrcp.f32 v26  }
0x26d: {  	(erf) = vpow2.f32 v16;
	_ =	sdelay $0x3  }
0x26e: {  	v54 =	vld [tilespmem:$0x1B4D8];
	_ =	sdelay $0x3  }
0x26f: {  	v26 =	vpop (erf)  }
0x270: {  	v16 =	vsub.f32 $0.0e+00, v54;
	v27 =	vpop (erf)  }
0x271: {  	v27 =	vadd.f32 $1.000000000e+00, v27  }
0x272: {  	v16 =	vmul.f32 $1.442695020e+00, v16  }
0x273: {  	(erf) = vrcp.f32 v27  }
0x274: {  	(erf) = vpow2.f32 v16;
	_ =	sdelay $0x3  }
0x275: {  	v55 =	vld [tilespmem:$0x1B4E8];
	_ =	sdelay $0x3  }
0x276: {  	v27 =	vpop (erf)  }
0x277: {  	v16 =	vsub.f32 $0.0e+00, v55;
	v28 =	vpop (erf)  }
0x278: {  	v28 =	vadd.f32 $1.000000000e+00, v28  }
0x279: {  	v16 =	vmul.f32 $1.442695020e+00, v16  }
0x27a: {  	(erf) = vrcp.f32 v28  }
0x27b: {  	(erf) = vpow2.f32 v16;
	_ =	sdelay $0x3  }
0x27c: {  	v56 =	vld [tilespmem:$0x1B4F8];
	_ =	sdelay $0x3  }
0x27d: {  	v28 =	vpop (erf)  }
0x27e: {  	v16 =	vsub.f32 $0.0e+00, v56;
	v29 =	vpop (erf)  }
0x27f: {  	v29 =	vadd.f32 $1.000000000e+00, v29  }
0x280: {  	v16 =	vmul.f32 $1.442695020e+00, v16  }
0x281: {  	(erf) = vrcp.f32 v29  }
0x282: {  	(erf) = vpow2.f32 v16;
	_ =	sdelay $0x3  }
0x283: {  	v57 =	vld [tilespmem:$0x1B508];
	_ =	sdelay $0x3  }
0x284: {  	v29 =	vpop (erf)  }
0x285: {  	v16 =	vsub.f32 $0.0e+00, v57;
	v30 =	vpop (erf)  }
0x286: {  	v30 =	vadd.f32 $1.000000000e+00, v30  }
0x287: {  	v16 =	vmul.f32 $1.442695020e+00, v16  }
0x288: {  	(erf) = vrcp.f32 v30  }
0x289: {  	(erf) = vpow2.f32 v16;
	_ =	sdelay $0x3  }
0x28a: {  	[tilespmem:$0x1B528] =	vst v0;
	v58 =	vld [tilespmem:$0x1B518]  }
0x28b: {  	[tilespmem:$0x1B538] =	vst v1  }
0x28c: {  	[tilespmem:$0x1B548] =	vst v2  }
0x28d: {  	[tilespmem:$0x1B558] =	vst v3  }
0x28e: {  	[tilespmem:$0x1B568] =	vst v4;
	v59 =	vpop (erf)  }
0x28f: {  	[tilespmem:$0x1B578] =	vst v5;
	v0 =	vsub.f32 $0.0e+00, v58;
	v60 =	vpop (erf)  }
0x290: {  	[tilespmem:$0x1B588] =	vst v6;
	v2 =	vadd.f32 $1.000000000e+00, v60  }
0x291: {  	v0 =	vmul.f32 $1.442695020e+00, v0;
	[tilespmem:$0x1B598] =	vst v7  }
0x292: {  	[tilespmem:$0x1B5A8] =	vst v61;
	(erf) = vrcp.f32 v2  }
0x293: {  	[tilespmem:$0x1B5B8] =	vst v63;
	(erf) = vpow2.f32 v0  }
0x294: {  	[tilespmem:$0x1B5C8] =	vst v34  }
0x295: {  	[tilespmem:$0x1B5D8] =	vst v36  }
0x296: {  	[tilespmem:$0x1B5E8] =	vst v38  }
0x297: {  	[tilespmem:$0x1B5F8] =	vst v40  }
0x298: {  	[tilespmem:$0x1B608] =	vst v42  }
0x299: {  	[tilespmem:$0x1B618] =	vst v44  }
0x29a: {  	[tilespmem:$0x1B628] =	vst v17  }
0x29b: {  	[tilespmem:$0x1B638] =	vst v18;
	v61 =	vpop (erf)  }
0x29c: {  	[tilespmem:$0x1B648] =	vst v19;
	v62 =	vpop (erf)  }
0x29d: {  	[tilespmem:$0x1B658] =	vst v20;
	v2 =	vadd.f32 $1.000000000e+00, v62  }
0x29e: {  	[tilespmem:$0x1B668] =	vst v21  }
0x29f: {  	[tilespmem:$0x1B678] =	vst v22;
	(erf) = vrcp.f32 v2  }
0x2a0: {  	[tilespmem:$0x1B688] =	vst v23  }
0x2a1: {  	[tilespmem:$0x1B698] =	vst v24  }
0x2a2: {  	[tilespmem:$0x1B6A8] =	vst v25  }
0x2a3: {  	[tilespmem:$0x1B6B8] =	vst v26  }
0x2a4: {  	[tilespmem:$0x1B6C8] =	vst v27  }
0x2a5: {  	[tilespmem:$0x1B6D8] =	vst v28  }
0x2a6: {  	[tilespmem:$0x1B6E8] =	vst v29  }
0x2a7: {  	[tilespmem:$0x1B6F8] =	vst v59  }
0x2a8: {  	[tilespmem:$0x1B708] =	vst v61;
	v63 =	vpop (erf)  }
0x2a9: {  	s12 =	simm.s32 $0x1B528;
	s29 =	sadd.s32 $0x1, s29;
	[tilespmem:$0x1B718] =	vst v63  }
0x2aa: {  	[hbm4b:s18+s2] =	stream.linear.scatter [tilespmem:s12], [sflag:$0x4], $0x200, $0x38;
	[tilespmem:$0x1B7A8] =	vst v63  }
0x2ab: {  	p3 =	sne.s32 s29, s24;
	_ =	swait.ge [sflag:s30], $0x200  }
.Ltmp2:
0x2ac: {  	[sflag:s30] =	ssyncset.done $0x0;
	(pc) =	sbr.rel @p3 .LBB2_1-.Ltmp2, $4  }
0x2ad: {  	[sflag:s30] =	ssyncadd.s32 $0xFFFFFE00  }
0x2ae: {  	_ =	swait.ge [sflag:s25], $0x200  }
0x2af: {  	[sflag:s25] =	ssyncset.done $0x0  }
0x2b0: {  	[sflag:s25] =	ssyncadd.s32 $0xFFFFFE00  }
0x2b1: {  	_ =	sfence.sel $0x180000  }
0x2b2: {  	[bflag:$0x0] =	sbarrier.arrive $0xFFFF  }
0x2b3: {  	_ =	strace $0x90000047  }
0x2b4: {  	s0 =	stileid.u32;
	[bflag:$0x2] =	sbarrier.arrive $0xFFFF  }
0x2b5: {  	p0 =	sne.s32 s0, $0x0;
	s0 =	rddreg [dreg:$0x5]  }
0x2b6: {  	s0 =	sadd.s32 @!p0 $0x100000, s0  }
0x2b7: {  	[sflag:s0] =	ssyncadd.tile.s32 @!p0 $0x1;
	_ =	shalt  }
.Lfunc_end2:
_tile_overlayer_lowered:
.L_overlay_start_2:
0x2b8: {  	(tag) =	ssettag $0x2  }
0x2b9: {  	s0 =	rddreg [dreg:$0x0];
	s2 =	stileid.u32  }
0x2ba: {  	s1 =	rddreg [dreg:$0x1];
	p0 =	sne.s32 s2, $0x0  }
0x2bb: {  	s3 =	rddreg [dreg:$0x2];
	[bflag:$0x3] =	sbarrier.arrive $0xFFFF;
	s2 =	simm.s32 @!p0 $0x1C04  }
0x2bc: {  	[timem:s3], [sflag:s2] =	dma.local @!p0 [hbm:s0], s1  }
0x2bd: {  	s0 =	simm.s32 @!p0 $0x4  }
0x2be: {  	_ =	swait.ge @!p0 [sflag:s0], s1  }
0x2bf: {  	s1 =	ssub.s32 @!p0 $0x0, s1;
	[sflag:s0] =	ssyncset.done @!p0 $0x0  }
0x2c0: {  	[sflag:s0] =	ssyncadd.s32 @!p0 s1  }
0x2c1: {  	[bflag:$0x3] =	sbarrier.arrive $0xFFFF  }
0x2c2: {  	_ =	shalt  }

</sc_bundles>
